<compile_context>
chip_gen: v7x
topology: tpu7x:2x2x1
jax: 0.10.2.dev20260603
libtpu: 0.0.44.dev20260713+nightly
codegen_flags: <defaults>
</compile_context>

<pallas_src>
import functools

import jax
import jax.numpy as jnp
from jax import lax
from jax.experimental import pallas as pl
from jax.experimental.pallas import tpu as pltpu
from jax.experimental.pallas import tpu_sc as plsc

NC = 2
NS = 16
NW = NC * NS
L = 16
SUB = 8

SC_ROWS = 6656
TC_BLOCK = 512


def _make_sc_gather(total_rows: int, row0_g: int, nrows: int, C: int, K: int):
    assert nrows % (NW * SUB) == 0 and K % L == 0 and C % 128 == 0
    assert row0_g % SUB == 0
    rows_per_w = nrows // NW
    trows_per_w = rows_per_w // SUB
    nbuf = 3 if trows_per_w % 3 == 0 else 2
    assert trows_per_w % nbuf == 0
    out_per_w = rows_per_w * K
    kchunks = K // L
    total_trows = total_rows // SUB
    trow_base = row0_g // SUB

    mesh = plsc.VectorSubcoreMesh(
        core_axis_name="c", subcore_axis_name="s",
        num_cores=NC, num_subcores=NS)

    @functools.partial(
        pl.kernel,
        mesh=mesh,
        compiler_params=pltpu.CompilerParams(needs_layout_passes=False),
        out_type=jax.ShapeDtypeStruct((nrows * K,), jnp.float32),
        scratch_types=[
            pltpu.VMEM((K,), jnp.int32),
            *[pltpu.VMEM((SUB, C), jnp.float32) for _ in range(nbuf)],
            pltpu.VMEM((out_per_w,), jnp.float32),
            *[pltpu.SemaphoreType.DMA for _ in range(nbuf)],
        ],
    )
    def k(x_hbm, idx_hbm, out_hbm, idx_v, *rest):
        blks = rest[:nbuf]
        obuf = rest[nbuf]
        sems = rest[nbuf + 1:]
        wid = lax.axis_index("s") * NC + lax.axis_index("c")
        trow0 = trow_base + wid * trows_per_w
        xv = x_hbm.reshape(total_trows, SUB, C)

        pltpu.sync_copy(idx_hbm, idx_v)

        for b in range(nbuf):
            pltpu.async_copy(xv.at[trow0 + b], blks[b], sems[b])

        def extract(blk, t):
            for s in range(SUB):
                srow = jnp.full((L,), s, dtype=jnp.int32)
                for q in range(kchunks):
                    cq = idx_v[pl.ds(q * L, L)]
                    vals = plsc.load_gather(blk, [srow, cq])
                    obuf[pl.ds((t * SUB + s) * K + q * L, L)] = vals

        def step(i, carry):
            for b in range(nbuf):
                t = i * nbuf + b
                pltpu.make_async_copy(
                    xv.at[trow0 + t], blks[b], sems[b]).wait()
                extract(blks[b], t)
                @pl.when(t + nbuf < trows_per_w)
                def _():
                    pltpu.async_copy(
                        xv.at[trow0 + t + nbuf], blks[b], sems[b])
            return carry
        lax.fori_loop(0, trows_per_w // nbuf, step, 0)

        pltpu.sync_copy(obuf, out_hbm.at[pl.ds(wid * out_per_w, out_per_w)])

    return k


def _tc_body(x_ref, sel_ref, out_ref):
    out_ref[...] = jnp.dot(
        x_ref[...], sel_ref[...], preferred_element_type=jnp.float32)


def _make_tc_gather(nrows: int, C: int, K: int):
    assert nrows % TC_BLOCK == 0
    return pl.pallas_call(
        _tc_body,
        grid=(nrows // TC_BLOCK,),
        in_specs=[
            pl.BlockSpec((TC_BLOCK, C), lambda i: (i, 0)),
            pl.BlockSpec((C, K), lambda i: (0, 0)),
        ],
        out_specs=pl.BlockSpec((TC_BLOCK, K), lambda i: (i, 0)),
        out_shape=jax.ShapeDtypeStruct((nrows, K), jnp.float32),
    )


@jax.jit
def kernel(x, indices):
    B, R, C = x.shape
    K = indices.shape[0]
    total_rows = B * R
    x2 = x.reshape(total_rows, C)
    tc_rows = total_rows - SC_ROWS

    sel = (indices[None, :] == jnp.arange(C, dtype=indices.dtype)[:, None]
           ).astype(jnp.float32)

    sc_flat = _make_sc_gather(total_rows, tc_rows, SC_ROWS, C, K)(x, indices)
    out_tc = _make_tc_gather(tc_rows, C, K)(x2, sel)
    out = jnp.concatenate([out_tc, sc_flat.reshape(SC_ROWS, K)], axis=0)
    return out.reshape(B, R, K)

# --- scband reference (transcript-rebuilt; emitter-appended) ---
"""Pipeline reference for scband-trim-module-2551210574342 (READ-ONLY COPY).

The authoritative reference and input builder live on the scoring server;
editing this copy changes nothing except your own understanding.
"""

import jax, jax.numpy as jnp
import numpy as np

DIM = -1

def setup_inputs(seed: int = 0) -> dict:
    key = jax.random.key(seed)
    x = jax.random.normal(key, (4, 4096, 4096), dtype=jnp.float32)
    # Learned/buffered parameter from __init__: indices selecting 64 of 4096 channels
    indices = jnp.arange(0, 4096, 64, dtype=jnp.int32)
    return {"x": x, "indices": indices}

def reference(x, indices):
    # torch.index_select(x, dim=-1, index=indices)
    return jnp.take(x, indices, axis=DIM)

if __name__ == "__main__":
    import jax
    _d = setup_inputs()
    print(jax.jit(kernel)(*tuple(_d.values())))

</pallas_src>

<mosaic_0001>
#map = affine_map<(d0, d1) -> (0, 0, 0)>
#map1 = affine_map<(d0, d1) -> (0)>
module attributes {stable_mosaic.version = 14 : i64} {
  func.func @k(%arg0: i32, %arg1: i32, %arg2: memref<4x4096x4096xf32, #tpu.memory_space<hbm>>, %arg3: memref<64xi32, #tpu.memory_space<hbm>>, %arg4: memref<425984xf32, #tpu.memory_space<hbm>>, %arg5: memref<64xi32, #tpu.memory_space<vmem>>, %arg6: memref<8x4096xf32, #tpu.memory_space<vmem>>, %arg7: memref<8x4096xf32, #tpu.memory_space<vmem>>, %arg8: memref<13312xf32, #tpu.memory_space<vmem>>, %arg9: memref<!tpu.dma_semaphore, #tpu.memory_space<semaphore_mem>>, %arg10: memref<!tpu.dma_semaphore, #tpu.memory_space<semaphore_mem>>) attributes {dimension_semantics = [#tpu.dimension_semantics<core_parallel>, #tpu.dimension_semantics<subcore_parallel>], iteration_bounds = array<i64: 2, 16>, scalar_prefetch = 0 : i64, scratch_operands = 6 : i64, tpu.core_type = #tpu.core_type<sc_vector_subcore>, window_params = [{transform_indices = #map}, {transform_indices = #map1}, {transform_indices = #map1}]} {
    %mul3A = arith.constant 2 : i32
    %mul3A_0 = arith.muli %arg1, %mul3A : i32
    %add3A = arith.addi %mul3A_0, %arg0 : i32
    %mul3A_1 = arith.constant 26 : i32
    %mul3A_2 = arith.muli %add3A, %mul3A_1 : i32
    %add3A_3 = arith.constant 1216 : i32
    %add3A_4 = arith.addi %add3A_3, %mul3A_2 : i32
    "tpu.region"() ({
      %run_scoped3A = tpu.sem_alloc : memref<!tpu.dma_semaphore, #tpu.memory_space<semaphore_mem>>
      tpu.enqueue_dma source(%arg3 : memref<64xi32, #tpu.memory_space<hbm>>) target(%arg5 : memref<64xi32, #tpu.memory_space<vmem>>) target_semaphore(%run_scoped3A : memref<!tpu.dma_semaphore, #tpu.memory_space<semaphore_mem>>)
      tpu.wait_dma2 semaphore(%run_scoped3A : memref<!tpu.dma_semaphore, #tpu.memory_space<semaphore_mem>>) src(%arg3 : memref<64xi32, #tpu.memory_space<hbm>>) dst(%arg5 : memref<64xi32, #tpu.memory_space<vmem>>)
      tpu.yield
    }) : () -> ()
    %add3A_5 = arith.constant 0 : i32
    %add3A_6 = arith.addi %add3A_4, %add3A_5 : i32
    %dma_start3A = tpu.memref_reshape %arg2 : memref<4x4096x4096xf32, #tpu.memory_space<hbm>> -> memref<2048x8x4096xf32, #tpu.memory_space<hbm>>
    %dma_start3A_7 = arith.constant 0 : i32
    %dma_start3A_8 = arith.constant 0 : i32
    %dma_start3A_9 = tpu.memref_slice %dma_start3A[%add3A_6, %dma_start3A_7, %dma_start3A_8] : memref<2048x8x4096xf32, #tpu.memory_space<hbm>> -> memref<1x8x4096xf32, #tpu.memory_space<hbm>>
    %dma_start3A_10 = tpu.memref_squeeze %dma_start3A_9 : memref<1x8x4096xf32, #tpu.memory_space<hbm>> -> memref<8x4096xf32, #tpu.memory_space<hbm>>
    %dma_start3A_11 = tpu.memref_reshape %arg2 : memref<4x4096x4096xf32, #tpu.memory_space<hbm>> -> memref<2048x8x4096xf32, #tpu.memory_space<hbm>>
    %dma_start3A_12 = arith.constant 0 : i32
    %dma_start3A_13 = arith.constant 0 : i32
    %dma_start3A_14 = tpu.memref_slice %dma_start3A_11[%add3A_6, %dma_start3A_12, %dma_start3A_13] : memref<2048x8x4096xf32, #tpu.memory_space<hbm>> -> memref<1x8x4096xf32, #tpu.memory_space<hbm>>
    %dma_start3A_15 = tpu.memref_squeeze %dma_start3A_14 : memref<1x8x4096xf32, #tpu.memory_space<hbm>> -> memref<8x4096xf32, #tpu.memory_space<hbm>>
    tpu.enqueue_dma source(%dma_start3A_15 : memref<8x4096xf32, #tpu.memory_space<hbm>>) target(%arg6 : memref<8x4096xf32, #tpu.memory_space<vmem>>) target_semaphore(%arg9 : memref<!tpu.dma_semaphore, #tpu.memory_space<semaphore_mem>>)
    %add3A_16 = arith.constant 1 : i32
    %add3A_17 = arith.addi %add3A_4, %add3A_16 : i32
    %dma_start3A_18 = tpu.memref_reshape %arg2 : memref<4x4096x4096xf32, #tpu.memory_space<hbm>> -> memref<2048x8x4096xf32, #tpu.memory_space<hbm>>
    %dma_start3A_19 = arith.constant 0 : i32
    %dma_start3A_20 = arith.constant 0 : i32
    %dma_start3A_21 = tpu.memref_slice %dma_start3A_18[%add3A_17, %dma_start3A_19, %dma_start3A_20] : memref<2048x8x4096xf32, #tpu.memory_space<hbm>> -> memref<1x8x4096xf32, #tpu.memory_space<hbm>>
    %dma_start3A_22 = tpu.memref_squeeze %dma_start3A_21 : memref<1x8x4096xf32, #tpu.memory_space<hbm>> -> memref<8x4096xf32, #tpu.memory_space<hbm>>
    %dma_start3A_23 = tpu.memref_reshape %arg2 : memref<4x4096x4096xf32, #tpu.memory_space<hbm>> -> memref<2048x8x4096xf32, #tpu.memory_space<hbm>>
    %dma_start3A_24 = arith.constant 0 : i32
    %dma_start3A_25 = arith.constant 0 : i32
    %dma_start3A_26 = tpu.memref_slice %dma_start3A_23[%add3A_17, %dma_start3A_24, %dma_start3A_25] : memref<2048x8x4096xf32, #tpu.memory_space<hbm>> -> memref<1x8x4096xf32, #tpu.memory_space<hbm>>
    %dma_start3A_27 = tpu.memref_squeeze %dma_start3A_26 : memref<1x8x4096xf32, #tpu.memory_space<hbm>> -> memref<8x4096xf32, #tpu.memory_space<hbm>>
    tpu.enqueue_dma source(%dma_start3A_27 : memref<8x4096xf32, #tpu.memory_space<hbm>>) target(%arg7 : memref<8x4096xf32, #tpu.memory_space<vmem>>) target_semaphore(%arg10 : memref<!tpu.dma_semaphore, #tpu.memory_space<semaphore_mem>>)
    %scan3A = arith.constant 0 : i32
    %scan3A_28 = arith.constant 0 : i32
    %scan3A_29 = arith.constant 13 : i32
    %scan3A_30 = arith.addi %scan3A_28, %scan3A_29 : i32
    %scan3A_31 = arith.constant 1 : i32
    scf.for %scan3A_35 = %scan3A_28 to %scan3A_30 step %scan3A_31  : i32 {
      %mul3A_36 = arith.constant 2 : i32
      %mul3A_37 = arith.muli %scan3A_35, %mul3A_36 : i32
      %add3A_38 = arith.constant 0 : i32
      %add3A_39 = arith.addi %mul3A_37, %add3A_38 : i32
      %add3A_40 = arith.addi %add3A_4, %add3A_39 : i32
      %dma_wait3A = tpu.memref_reshape %arg2 : memref<4x4096x4096xf32, #tpu.memory_space<hbm>> -> memref<2048x8x4096xf32, #tpu.memory_space<hbm>>
      %dma_wait3A_41 = arith.constant 0 : i32
      %dma_wait3A_42 = arith.constant 0 : i32
      %dma_wait3A_43 = tpu.memref_slice %dma_wait3A[%add3A_40, %dma_wait3A_41, %dma_wait3A_42] : memref<2048x8x4096xf32, #tpu.memory_space<hbm>> -> memref<1x8x4096xf32, #tpu.memory_space<hbm>>
      %dma_wait3A_44 = tpu.memref_squeeze %dma_wait3A_43 : memref<1x8x4096xf32, #tpu.memory_space<hbm>> -> memref<8x4096xf32, #tpu.memory_space<hbm>>
      %dma_wait3A_45 = tpu.memref_reshape %arg2 : memref<4x4096x4096xf32, #tpu.memory_space<hbm>> -> memref<2048x8x4096xf32, #tpu.memory_space<hbm>>
      %dma_wait3A_46 = arith.constant 0 : i32
      %dma_wait3A_47 = arith.constant 0 : i32
      %dma_wait3A_48 = tpu.memref_slice %dma_wait3A_45[%add3A_40, %dma_wait3A_46, %dma_wait3A_47] : memref<2048x8x4096xf32, #tpu.memory_space<hbm>> -> memref<1x8x4096xf32, #tpu.memory_space<hbm>>
      %dma_wait3A_49 = tpu.memref_squeeze %dma_wait3A_48 : memref<1x8x4096xf32, #tpu.memory_space<hbm>> -> memref<8x4096xf32, #tpu.memory_space<hbm>>
      tpu.wait_dma2 semaphore(%arg9 : memref<!tpu.dma_semaphore, #tpu.memory_space<semaphore_mem>>) src(%dma_wait3A_49 : memref<8x4096xf32, #tpu.memory_space<hbm>>) dst(%arg6 : memref<8x4096xf32, #tpu.memory_space<vmem>>)
      %broadcast_in_dim3A = arith.constant 0 : i32
      %broadcast_in_dim3A_50 = vector.broadcast %broadcast_in_dim3A : i32 to vector<16xi32>
      %get3A = arith.constant 0 : index
      %get3A_51 = tpu.vector_load %arg5[%get3A] {strides = array<i32>} : memref<64xi32, #tpu.memory_space<vmem>>, vector<16xi32>,
      %gather3A = tpu.vector_load_idx %arg6[%broadcast_in_dim3A_50, %get3A_51] : memref<8x4096xf32, #tpu.memory_space<vmem>>[vector<16xi32>, vector<16xi32>], vector<16xf32>,
      %mul3A_52 = arith.constant 8 : i32
      %mul3A_53 = arith.muli %add3A_39, %mul3A_52 : i32
      %add3A_54 = arith.constant 0 : i32
      %add3A_55 = arith.addi %mul3A_53, %add3A_54 : i32
      %mul3A_56 = arith.constant 64 : i32
      %mul3A_57 = arith.muli %add3A_55, %mul3A_56 : i32
      %add3A_58 = arith.constant 0 : i32
      %add3A_59 = arith.addi %mul3A_57, %add3A_58 : i32
      %swap3A = arith.index_cast %add3A_59 : i32 to index
      %swap3A_60 = tpu.vector_load %arg8[%swap3A] {strides = array<i32>} : memref<13312xf32, #tpu.memory_space<vmem>>, vector<16xf32>,
      tpu.vector_store %arg8[%swap3A], %gather3A {strides = array<i32>} : memref<13312xf32, #tpu.memory_space<vmem>>, vector<16xf32>,
      %get3A_61 = arith.constant 16 : index
      %get3A_62 = tpu.vector_load %arg5[%get3A_61] {strides = array<i32>} : memref<64xi32, #tpu.memory_space<vmem>>, vector<16xi32>,
      %gather3A_63 = tpu.vector_load_idx %arg6[%broadcast_in_dim3A_50, %get3A_62] : memref<8x4096xf32, #tpu.memory_space<vmem>>[vector<16xi32>, vector<16xi32>], vector<16xf32>,
      %mul3A_64 = arith.constant 8 : i32
      %mul3A_65 = arith.muli %add3A_39, %mul3A_64 : i32
      %add3A_66 = arith.constant 0 : i32
      %add3A_67 = arith.addi %mul3A_65, %add3A_66 : i32
      %mul3A_68 = arith.constant 64 : i32
      %mul3A_69 = arith.muli %add3A_67, %mul3A_68 : i32
      %add3A_70 = arith.constant 16 : i32
      %add3A_71 = arith.addi %mul3A_69, %add3A_70 : i32
      %swap3A_72 = arith.index_cast %add3A_71 : i32 to index
      %swap3A_73 = tpu.vector_load %arg8[%swap3A_72] {strides = array<i32>} : memref<13312xf32, #tpu.memory_space<vmem>>, vector<16xf32>,
      tpu.vector_store %arg8[%swap3A_72], %gather3A_63 {strides = array<i32>} : memref<13312xf32, #tpu.memory_space<vmem>>, vector<16xf32>,
      %get3A_74 = arith.constant 32 : index
      %get3A_75 = tpu.vector_load %arg5[%get3A_74] {strides = array<i32>} : memref<64xi32, #tpu.memory_space<vmem>>, vector<16xi32>,
      %gather3A_76 = tpu.vector_load_idx %arg6[%broadcast_in_dim3A_50, %get3A_75] : memref<8x4096xf32, #tpu.memory_space<vmem>>[vector<16xi32>, vector<16xi32>], vector<16xf32>,
      %mul3A_77 = arith.constant 8 : i32
      %mul3A_78 = arith.muli %add3A_39, %mul3A_77 : i32
      %add3A_79 = arith.constant 0 : i32
      %add3A_80 = arith.addi %mul3A_78, %add3A_79 : i32
      %mul3A_81 = arith.constant 64 : i32
      %mul3A_82 = arith.muli %add3A_80, %mul3A_81 : i32
      %add3A_83 = arith.constant 32 : i32
      %add3A_84 = arith.addi %mul3A_82, %add3A_83 : i32
      %swap3A_85 = arith.index_cast %add3A_84 : i32 to index
      %swap3A_86 = tpu.vector_load %arg8[%swap3A_85] {strides = array<i32>} : memref<13312xf32, #tpu.memory_space<vmem>>, vector<16xf32>,
      tpu.vector_store %arg8[%swap3A_85], %gather3A_76 {strides = array<i32>} : memref<13312xf32, #tpu.memory_space<vmem>>, vector<16xf32>,
      %get3A_87 = arith.constant 48 : index
      %get3A_88 = tpu.vector_load %arg5[%get3A_87] {strides = array<i32>} : memref<64xi32, #tpu.memory_space<vmem>>, vector<16xi32>,
      %gather3A_89 = tpu.vector_load_idx %arg6[%broadcast_in_dim3A_50, %get3A_88] : memref<8x4096xf32, #tpu.memory_space<vmem>>[vector<16xi32>, vector<16xi32>], vector<16xf32>,
      %mul3A_90 = arith.constant 8 : i32
      %mul3A_91 = arith.muli %add3A_39, %mul3A_90 : i32
      %add3A_92 = arith.constant 0 : i32
      %add3A_93 = arith.addi %mul3A_91, %add3A_92 : i32
      %mul3A_94 = arith.constant 64 : i32
      %mul3A_95 = arith.muli %add3A_93, %mul3A_94 : i32
      %add3A_96 = arith.constant 48 : i32
      %add3A_97 = arith.addi %mul3A_95, %add3A_96 : i32
      %swap3A_98 = arith.index_cast %add3A_97 : i32 to index
      %swap3A_99 = tpu.vector_load %arg8[%swap3A_98] {strides = array<i32>} : memref<13312xf32, #tpu.memory_space<vmem>>, vector<16xf32>,
      tpu.vector_store %arg8[%swap3A_98], %gather3A_89 {strides = array<i32>} : memref<13312xf32, #tpu.memory_space<vmem>>, vector<16xf32>,
      %broadcast_in_dim3A_100 = arith.constant 1 : i32
      %broadcast_in_dim3A_101 = vector.broadcast %broadcast_in_dim3A_100 : i32 to vector<16xi32>
      %get3A_102 = arith.constant 0 : index
      %get3A_103 = tpu.vector_load %arg5[%get3A_102] {strides = array<i32>} : memref<64xi32, #tpu.memory_space<vmem>>, vector<16xi32>,
      %gather3A_104 = tpu.vector_load_idx %arg6[%broadcast_in_dim3A_101, %get3A_103] : memref<8x4096xf32, #tpu.memory_space<vmem>>[vector<16xi32>, vector<16xi32>], vector<16xf32>,
      %mul3A_105 = arith.constant 8 : i32
      %mul3A_106 = arith.muli %add3A_39, %mul3A_105 : i32
      %add3A_107 = arith.constant 1 : i32
      %add3A_108 = arith.addi %mul3A_106, %add3A_107 : i32
      %mul3A_109 = arith.constant 64 : i32
      %mul3A_110 = arith.muli %add3A_108, %mul3A_109 : i32
      %add3A_111 = arith.constant 0 : i32
      %add3A_112 = arith.addi %mul3A_110, %add3A_111 : i32
      %swap3A_113 = arith.index_cast %add3A_112 : i32 to index
      %swap3A_114 = tpu.vector_load %arg8[%swap3A_113] {strides = array<i32>} : memref<13312xf32, #tpu.memory_space<vmem>>, vector<16xf32>,
      tpu.vector_store %arg8[%swap3A_113], %gather3A_104 {strides = array<i32>} : memref<13312xf32, #tpu.memory_space<vmem>>, vector<16xf32>,
      %get3A_115 = arith.constant 16 : index
      %get3A_116 = tpu.vector_load %arg5[%get3A_115] {strides = array<i32>} : memref<64xi32, #tpu.memory_space<vmem>>, vector<16xi32>,
      %gather3A_117 = tpu.vector_load_idx %arg6[%broadcast_in_dim3A_101, %get3A_116] : memref<8x4096xf32, #tpu.memory_space<vmem>>[vector<16xi32>, vector<16xi32>], vector<16xf32>,
      %mul3A_118 = arith.constant 8 : i32
      %mul3A_119 = arith.muli %add3A_39, %mul3A_118 : i32
      %add3A_120 = arith.constant 1 : i32
      %add3A_121 = arith.addi %mul3A_119, %add3A_120 : i32
      %mul3A_122 = arith.constant 64 : i32
      %mul3A_123 = arith.muli %add3A_121, %mul3A_122 : i32
      %add3A_124 = arith.constant 16 : i32
      %add3A_125 = arith.addi %mul3A_123, %add3A_124 : i32
      %swap3A_126 = arith.index_cast %add3A_125 : i32 to index
      %swap3A_127 = tpu.vector_load %arg8[%swap3A_126] {strides = array<i32>} : memref<13312xf32, #tpu.memory_space<vmem>>, vector<16xf32>,
      tpu.vector_store %arg8[%swap3A_126], %gather3A_117 {strides = array<i32>} : memref<13312xf32, #tpu.memory_space<vmem>>, vector<16xf32>,
      %get3A_128 = arith.constant 32 : index
      %get3A_129 = tpu.vector_load %arg5[%get3A_128] {strides = array<i32>} : memref<64xi32, #tpu.memory_space<vmem>>, vector<16xi32>,
      %gather3A_130 = tpu.vector_load_idx %arg6[%broadcast_in_dim3A_101, %get3A_129] : memref<8x4096xf32, #tpu.memory_space<vmem>>[vector<16xi32>, vector<16xi32>], vector<16xf32>,
      %mul3A_131 = arith.constant 8 : i32
      %mul3A_132 = arith.muli %add3A_39, %mul3A_131 : i32
      %add3A_133 = arith.constant 1 : i32
      %add3A_134 = arith.addi %mul3A_132, %add3A_133 : i32
      %mul3A_135 = arith.constant 64 : i32
      %mul3A_136 = arith.muli %add3A_134, %mul3A_135 : i32
      %add3A_137 = arith.constant 32 : i32
      %add3A_138 = arith.addi %mul3A_136, %add3A_137 : i32
      %swap3A_139 = arith.index_cast %add3A_138 : i32 to index
      %swap3A_140 = tpu.vector_load %arg8[%swap3A_139] {strides = array<i32>} : memref<13312xf32, #tpu.memory_space<vmem>>, vector<16xf32>,
      tpu.vector_store %arg8[%swap3A_139], %gather3A_130 {strides = array<i32>} : memref<13312xf32, #tpu.memory_space<vmem>>, vector<16xf32>,
      %get3A_141 = arith.constant 48 : index
      %get3A_142 = tpu.vector_load %arg5[%get3A_141] {strides = array<i32>} : memref<64xi32, #tpu.memory_space<vmem>>, vector<16xi32>,
      %gather3A_143 = tpu.vector_load_idx %arg6[%broadcast_in_dim3A_101, %get3A_142] : memref<8x4096xf32, #tpu.memory_space<vmem>>[vector<16xi32>, vector<16xi32>], vector<16xf32>,
      %mul3A_144 = arith.constant 8 : i32
      %mul3A_145 = arith.muli %add3A_39, %mul3A_144 : i32
      %add3A_146 = arith.constant 1 : i32
      %add3A_147 = arith.addi %mul3A_145, %add3A_146 : i32
      %mul3A_148 = arith.constant 64 : i32
      %mul3A_149 = arith.muli %add3A_147, %mul3A_148 : i32
      %add3A_150 = arith.constant 48 : i32
      %add3A_151 = arith.addi %mul3A_149, %add3A_150 : i32
      %swap3A_152 = arith.index_cast %add3A_151 : i32 to index
      %swap3A_153 = tpu.vector_load %arg8[%swap3A_152] {strides = array<i32>} : memref<13312xf32, #tpu.memory_space<vmem>>, vector<16xf32>,
      tpu.vector_store %arg8[%swap3A_152], %gather3A_143 {strides = array<i32>} : memref<13312xf32, #tpu.memory_space<vmem>>, vector<16xf32>,
      %broadcast_in_dim3A_154 = arith.constant 2 : i32
      %broadcast_in_dim3A_155 = vector.broadcast %broadcast_in_dim3A_154 : i32 to vector<16xi32>
      %get3A_156 = arith.constant 0 : index
      %get3A_157 = tpu.vector_load %arg5[%get3A_156] {strides = array<i32>} : memref<64xi32, #tpu.memory_space<vmem>>, vector<16xi32>,
      %gather3A_158 = tpu.vector_load_idx %arg6[%broadcast_in_dim3A_155, %get3A_157] : memref<8x4096xf32, #tpu.memory_space<vmem>>[vector<16xi32>, vector<16xi32>], vector<16xf32>,
      %mul3A_159 = arith.constant 8 : i32
      %mul3A_160 = arith.muli %add3A_39, %mul3A_159 : i32
      %add3A_161 = arith.constant 2 : i32
      %add3A_162 = arith.addi %mul3A_160, %add3A_161 : i32
      %mul3A_163 = arith.constant 64 : i32
      %mul3A_164 = arith.muli %add3A_162, %mul3A_163 : i32
      %add3A_165 = arith.constant 0 : i32
      %add3A_166 = arith.addi %mul3A_164, %add3A_165 : i32
      %swap3A_167 = arith.index_cast %add3A_166 : i32 to index
      %swap3A_168 = tpu.vector_load %arg8[%swap3A_167] {strides = array<i32>} : memref<13312xf32, #tpu.memory_space<vmem>>, vector<16xf32>,
      tpu.vector_store %arg8[%swap3A_167], %gather3A_158 {strides = array<i32>} : memref<13312xf32, #tpu.memory_space<vmem>>, vector<16xf32>,
      %get3A_169 = arith.constant 16 : index
      %get3A_170 = tpu.vector_load %arg5[%get3A_169] {strides = array<i32>} : memref<64xi32, #tpu.memory_space<vmem>>, vector<16xi32>,
      %gather3A_171 = tpu.vector_load_idx %arg6[%broadcast_in_dim3A_155, %get3A_170] : memref<8x4096xf32, #tpu.memory_space<vmem>>[vector<16xi32>, vector<16xi32>], vector<16xf32>,
      %mul3A_172 = arith.constant 8 : i32
      %mul3A_173 = arith.muli %add3A_39, %mul3A_172 : i32
      %add3A_174 = arith.constant 2 : i32
      %add3A_175 = arith.addi %mul3A_173, %add3A_174 : i32
      %mul3A_176 = arith.constant 64 : i32
      %mul3A_177 = arith.muli %add3A_175, %mul3A_176 : i32
      %add3A_178 = arith.constant 16 : i32
      %add3A_179 = arith.addi %mul3A_177, %add3A_178 : i32
      %swap3A_180 = arith.index_cast %add3A_179 : i32 to index
      %swap3A_181 = tpu.vector_load %arg8[%swap3A_180] {strides = array<i32>} : memref<13312xf32, #tpu.memory_space<vmem>>, vector<16xf32>,
      tpu.vector_store %arg8[%swap3A_180], %gather3A_171 {strides = array<i32>} : memref<13312xf32, #tpu.memory_space<vmem>>, vector<16xf32>,
      %get3A_182 = arith.constant 32 : index
      %get3A_183 = tpu.vector_load %arg5[%get3A_182] {strides = array<i32>} : memref<64xi32, #tpu.memory_space<vmem>>, vector<16xi32>,
      %gather3A_184 = tpu.vector_load_idx %arg6[%broadcast_in_dim3A_155, %get3A_183] : memref<8x4096xf32, #tpu.memory_space<vmem>>[vector<16xi32>, vector<16xi32>], vector<16xf32>,
      %mul3A_185 = arith.constant 8 : i32
      %mul3A_186 = arith.muli %add3A_39, %mul3A_185 : i32
      %add3A_187 = arith.constant 2 : i32
      %add3A_188 = arith.addi %mul3A_186, %add3A_187 : i32
      %mul3A_189 = arith.constant 64 : i32
      %mul3A_190 = arith.muli %add3A_188, %mul3A_189 : i32
      %add3A_191 = arith.constant 32 : i32
      %add3A_192 = arith.addi %mul3A_190, %add3A_191 : i32
      %swap3A_193 = arith.index_cast %add3A_192 : i32 to index
      %swap3A_194 = tpu.vector_load %arg8[%swap3A_193] {strides = array<i32>} : memref<13312xf32, #tpu.memory_space<vmem>>, vector<16xf32>,
      tpu.vector_store %arg8[%swap3A_193], %gather3A_184 {strides = array<i32>} : memref<13312xf32, #tpu.memory_space<vmem>>, vector<16xf32>,
      %get3A_195 = arith.constant 48 : index
      %get3A_196 = tpu.vector_load %arg5[%get3A_195] {strides = array<i32>} : memref<64xi32, #tpu.memory_space<vmem>>, vector<16xi32>,
      %gather3A_197 = tpu.vector_load_idx %arg6[%broadcast_in_dim3A_155, %get3A_196] : memref<8x4096xf32, #tpu.memory_space<vmem>>[vector<16xi32>, vector<16xi32>], vector<16xf32>,
      %mul3A_198 = arith.constant 8 : i32
      %mul3A_199 = arith.muli %add3A_39, %mul3A_198 : i32
      %add3A_200 = arith.constant 2 : i32
      %add3A_201 = arith.addi %mul3A_199, %add3A_200 : i32
      %mul3A_202 = arith.constant 64 : i32
      %mul3A_203 = arith.muli %add3A_201, %mul3A_202 : i32
      %add3A_204 = arith.constant 48 : i32
      %add3A_205 = arith.addi %mul3A_203, %add3A_204 : i32
      %swap3A_206 = arith.index_cast %add3A_205 : i32 to index
      %swap3A_207 = tpu.vector_load %arg8[%swap3A_206] {strides = array<i32>} : memref<13312xf32, #tpu.memory_space<vmem>>, vector<16xf32>,
      tpu.vector_store %arg8[%swap3A_206], %gather3A_197 {strides = array<i32>} : memref<13312xf32, #tpu.memory_space<vmem>>, vector<16xf32>,
      %broadcast_in_dim3A_208 = arith.constant 3 : i32
      %broadcast_in_dim3A_209 = vector.broadcast %broadcast_in_dim3A_208 : i32 to vector<16xi32>
      %get3A_210 = arith.constant 0 : index
      %get3A_211 = tpu.vector_load %arg5[%get3A_210] {strides = array<i32>} : memref<64xi32, #tpu.memory_space<vmem>>, vector<16xi32>,
      %gather3A_212 = tpu.vector_load_idx %arg6[%broadcast_in_dim3A_209, %get3A_211] : memref<8x4096xf32, #tpu.memory_space<vmem>>[vector<16xi32>, vector<16xi32>], vector<16xf32>,
      %mul3A_213 = arith.constant 8 : i32
      %mul3A_214 = arith.muli %add3A_39, %mul3A_213 : i32
      %add3A_215 = arith.constant 3 : i32
      %add3A_216 = arith.addi %mul3A_214, %add3A_215 : i32
      %mul3A_217 = arith.constant 64 : i32
      %mul3A_218 = arith.muli %add3A_216, %mul3A_217 : i32
      %add3A_219 = arith.constant 0 : i32
      %add3A_220 = arith.addi %mul3A_218, %add3A_219 : i32
      %swap3A_221 = arith.index_cast %add3A_220 : i32 to index
      %swap3A_222 = tpu.vector_load %arg8[%swap3A_221] {strides = array<i32>} : memref<13312xf32, #tpu.memory_space<vmem>>, vector<16xf32>,
      tpu.vector_store %arg8[%swap3A_221], %gather3A_212 {strides = array<i32>} : memref<13312xf32, #tpu.memory_space<vmem>>, vector<16xf32>,
      %get3A_223 = arith.constant 16 : index
      %get3A_224 = tpu.vector_load %arg5[%get3A_223] {strides = array<i32>} : memref<64xi32, #tpu.memory_space<vmem>>, vector<16xi32>,
      %gather3A_225 = tpu.vector_load_idx %arg6[%broadcast_in_dim3A_209, %get3A_224] : memref<8x4096xf32, #tpu.memory_space<vmem>>[vector<16xi32>, vector<16xi32>], vector<16xf32>,
      %mul3A_226 = arith.constant 8 : i32
      %mul3A_227 = arith.muli %add3A_39, %mul3A_226 : i32
      %add3A_228 = arith.constant 3 : i32
      %add3A_229 = arith.addi %mul3A_227, %add3A_228 : i32
      %mul3A_230 = arith.constant 64 : i32
      %mul3A_231 = arith.muli %add3A_229, %mul3A_230 : i32
      %add3A_232 = arith.constant 16 : i32
      %add3A_233 = arith.addi %mul3A_231, %add3A_232 : i32
      %swap3A_234 = arith.index_cast %add3A_233 : i32 to index
      %swap3A_235 = tpu.vector_load %arg8[%swap3A_234] {strides = array<i32>} : memref<13312xf32, #tpu.memory_space<vmem>>, vector<16xf32>,
      tpu.vector_store %arg8[%swap3A_234], %gather3A_225 {strides = array<i32>} : memref<13312xf32, #tpu.memory_space<vmem>>, vector<16xf32>,
      %get3A_236 = arith.constant 32 : index
      %get3A_237 = tpu.vector_load %arg5[%get3A_236] {strides = array<i32>} : memref<64xi32, #tpu.memory_space<vmem>>, vector<16xi32>,
      %gather3A_238 = tpu.vector_load_idx %arg6[%broadcast_in_dim3A_209, %get3A_237] : memref<8x4096xf32, #tpu.memory_space<vmem>>[vector<16xi32>, vector<16xi32>], vector<16xf32>,
      %mul3A_239 = arith.constant 8 : i32
      %mul3A_240 = arith.muli %add3A_39, %mul3A_239 : i32
      %add3A_241 = arith.constant 3 : i32
      %add3A_242 = arith.addi %mul3A_240, %add3A_241 : i32
      %mul3A_243 = arith.constant 64 : i32
      %mul3A_244 = arith.muli %add3A_242, %mul3A_243 : i32
      %add3A_245 = arith.constant 32 : i32
      %add3A_246 = arith.addi %mul3A_244, %add3A_245 : i32
      %swap3A_247 = arith.index_cast %add3A_246 : i32 to index
      %swap3A_248 = tpu.vector_load %arg8[%swap3A_247] {strides = array<i32>} : memref<13312xf32, #tpu.memory_space<vmem>>, vector<16xf32>,
      tpu.vector_store %arg8[%swap3A_247], %gather3A_238 {strides = array<i32>} : memref<13312xf32, #tpu.memory_space<vmem>>, vector<16xf32>,
      %get3A_249 = arith.constant 48 : index
      %get3A_250 = tpu.vector_load %arg5[%get3A_249] {strides = array<i32>} : memref<64xi32, #tpu.memory_space<vmem>>, vector<16xi32>,
      %gather3A_251 = tpu.vector_load_idx %arg6[%broadcast_in_dim3A_209, %get3A_250] : memref<8x4096xf32, #tpu.memory_space<vmem>>[vector<16xi32>, vector<16xi32>], vector<16xf32>,
      %mul3A_252 = arith.constant 8 : i32
      %mul3A_253 = arith.muli %add3A_39, %mul3A_252 : i32
      %add3A_254 = arith.constant 3 : i32
      %add3A_255 = arith.addi %mul3A_253, %add3A_254 : i32
      %mul3A_256 = arith.constant 64 : i32
      %mul3A_257 = arith.muli %add3A_255, %mul3A_256 : i32
      %add3A_258 = arith.constant 48 : i32
      %add3A_259 = arith.addi %mul3A_257, %add3A_258 : i32
      %swap3A_260 = arith.index_cast %add3A_259 : i32 to index
      %swap3A_261 = tpu.vector_load %arg8[%swap3A_260] {strides = array<i32>} : memref<13312xf32, #tpu.memory_space<vmem>>, vector<16xf32>,
      tpu.vector_store %arg8[%swap3A_260], %gather3A_251 {strides = array<i32>} : memref<13312xf32, #tpu.memory_space<vmem>>, vector<16xf32>,
      %broadcast_in_dim3A_262 = arith.constant 4 : i32
      %broadcast_in_dim3A_263 = vector.broadcast %broadcast_in_dim3A_262 : i32 to vector<16xi32>
      %get3A_264 = arith.constant 0 : index
      %get3A_265 = tpu.vector_load %arg5[%get3A_264] {strides = array<i32>} : memref<64xi32, #tpu.memory_space<vmem>>, vector<16xi32>,
      %gather3A_266 = tpu.vector_load_idx %arg6[%broadcast_in_dim3A_263, %get3A_265] : memref<8x4096xf32, #tpu.memory_space<vmem>>[vector<16xi32>, vector<16xi32>], vector<16xf32>,
      %mul3A_267 = arith.constant 8 : i32
      %mul3A_268 = arith.muli %add3A_39, %mul3A_267 : i32
      %add3A_269 = arith.constant 4 : i32
      %add3A_270 = arith.addi %mul3A_268, %add3A_269 : i32
      %mul3A_271 = arith.constant 64 : i32
      %mul3A_272 = arith.muli %add3A_270, %mul3A_271 : i32
      %add3A_273 = arith.constant 0 : i32
      %add3A_274 = arith.addi %mul3A_272, %add3A_273 : i32
      %swap3A_275 = arith.index_cast %add3A_274 : i32 to index
      %swap3A_276 = tpu.vector_load %arg8[%swap3A_275] {strides = array<i32>} : memref<13312xf32, #tpu.memory_space<vmem>>, vector<16xf32>,
      tpu.vector_store %arg8[%swap3A_275], %gather3A_266 {strides = array<i32>} : memref<13312xf32, #tpu.memory_space<vmem>>, vector<16xf32>,
      %get3A_277 = arith.constant 16 : index
      %get3A_278 = tpu.vector_load %arg5[%get3A_277] {strides = array<i32>} : memref<64xi32, #tpu.memory_space<vmem>>, vector<16xi32>,
      %gather3A_279 = tpu.vector_load_idx %arg6[%broadcast_in_dim3A_263, %get3A_278] : memref<8x4096xf32, #tpu.memory_space<vmem>>[vector<16xi32>, vector<16xi32>], vector<16xf32>,
      %mul3A_280 = arith.constant 8 : i32
      %mul3A_281 = arith.muli %add3A_39, %mul3A_280 : i32
      %add3A_282 = arith.constant 4 : i32
      %add3A_283 = arith.addi %mul3A_281, %add3A_282 : i32
      %mul3A_284 = arith.constant 64 : i32
      %mul3A_285 = arith.muli %add3A_283, %mul3A_284 : i32
      %add3A_286 = arith.constant 16 : i32
      %add3A_287 = arith.addi %mul3A_285, %add3A_286 : i32
      %swap3A_288 = arith.index_cast %add3A_287 : i32 to index
      %swap3A_289 = tpu.vector_load %arg8[%swap3A_288] {strides = array<i32>} : memref<13312xf32, #tpu.memory_space<vmem>>, vector<16xf32>,
      tpu.vector_store %arg8[%swap3A_288], %gather3A_279 {strides = array<i32>} : memref<13312xf32, #tpu.memory_space<vmem>>, vector<16xf32>,
      %get3A_290 = arith.constant 32 : index
      %get3A_291 = tpu.vector_load %arg5[%get3A_290] {strides = array<i32>} : memref<64xi32, #tpu.memory_space<vmem>>, vector<16xi32>,
      %gather3A_292 = tpu.vector_load_idx %arg6[%broadcast_in_dim3A_263, %get3A_291] : memref<8x4096xf32, #tpu.memory_space<vmem>>[vector<16xi32>, vector<16xi32>], vector<16xf32>,
      %mul3A_293 = arith.constant 8 : i32
      %mul3A_294 = arith.muli %add3A_39, %mul3A_293 : i32
      %add3A_295 = arith.constant 4 : i32
      %add3A_296 = arith.addi %mul3A_294, %add3A_295 : i32
      %mul3A_297 = arith.constant 64 : i32
      %mul3A_298 = arith.muli %add3A_296, %mul3A_297 : i32
      %add3A_299 = arith.constant 32 : i32
      %add3A_300 = arith.addi %mul3A_298, %add3A_299 : i32
      %swap3A_301 = arith.index_cast %add3A_300 : i32 to index
      %swap3A_302 = tpu.vector_load %arg8[%swap3A_301] {strides = array<i32>} : memref<13312xf32, #tpu.memory_space<vmem>>, vector<16xf32>,
      tpu.vector_store %arg8[%swap3A_301], %gather3A_292 {strides = array<i32>} : memref<13312xf32, #tpu.memory_space<vmem>>, vector<16xf32>,
      %get3A_303 = arith.constant 48 : index
      %get3A_304 = tpu.vector_load %arg5[%get3A_303] {strides = array<i32>} : memref<64xi32, #tpu.memory_space<vmem>>, vector<16xi32>,
      %gather3A_305 = tpu.vector_load_idx %arg6[%broadcast_in_dim3A_263, %get3A_304] : memref<8x4096xf32, #tpu.memory_space<vmem>>[vector<16xi32>, vector<16xi32>], vector<16xf32>,
      %mul3A_306 = arith.constant 8 : i32
      %mul3A_307 = arith.muli %add3A_39, %mul3A_306 : i32
      %add3A_308 = arith.constant 4 : i32
      %add3A_309 = arith.addi %mul3A_307, %add3A_308 : i32
      %mul3A_310 = arith.constant 64 : i32
      %mul3A_311 = arith.muli %add3A_309, %mul3A_310 : i32
      %add3A_312 = arith.constant 48 : i32
      %add3A_313 = arith.addi %mul3A_311, %add3A_312 : i32
      %swap3A_314 = arith.index_cast %add3A_313 : i32 to index
      %swap3A_315 = tpu.vector_load %arg8[%swap3A_314] {strides = array<i32>} : memref<13312xf32, #tpu.memory_space<vmem>>, vector<16xf32>,
      tpu.vector_store %arg8[%swap3A_314], %gather3A_305 {strides = array<i32>} : memref<13312xf32, #tpu.memory_space<vmem>>, vector<16xf32>,
      %broadcast_in_dim3A_316 = arith.constant 5 : i32
      %broadcast_in_dim3A_317 = vector.broadcast %broadcast_in_dim3A_316 : i32 to vector<16xi32>
      %get3A_318 = arith.constant 0 : index
      %get3A_319 = tpu.vector_load %arg5[%get3A_318] {strides = array<i32>} : memref<64xi32, #tpu.memory_space<vmem>>, vector<16xi32>,
      %gather3A_320 = tpu.vector_load_idx %arg6[%broadcast_in_dim3A_317, %get3A_319] : memref<8x4096xf32, #tpu.memory_space<vmem>>[vector<16xi32>, vector<16xi32>], vector<16xf32>,
      %mul3A_321 = arith.constant 8 : i32
      %mul3A_322 = arith.muli %add3A_39, %mul3A_321 : i32
      %add3A_323 = arith.constant 5 : i32
      %add3A_324 = arith.addi %mul3A_322, %add3A_323 : i32
      %mul3A_325 = arith.constant 64 : i32
      %mul3A_326 = arith.muli %add3A_324, %mul3A_325 : i32
      %add3A_327 = arith.constant 0 : i32
      %add3A_328 = arith.addi %mul3A_326, %add3A_327 : i32
      %swap3A_329 = arith.index_cast %add3A_328 : i32 to index
      %swap3A_330 = tpu.vector_load %arg8[%swap3A_329] {strides = array<i32>} : memref<13312xf32, #tpu.memory_space<vmem>>, vector<16xf32>,
      tpu.vector_store %arg8[%swap3A_329], %gather3A_320 {strides = array<i32>} : memref<13312xf32, #tpu.memory_space<vmem>>, vector<16xf32>,
      %get3A_331 = arith.constant 16 : index
      %get3A_332 = tpu.vector_load %arg5[%get3A_331] {strides = array<i32>} : memref<64xi32, #tpu.memory_space<vmem>>, vector<16xi32>,
      %gather3A_333 = tpu.vector_load_idx %arg6[%broadcast_in_dim3A_317, %get3A_332] : memref<8x4096xf32, #tpu.memory_space<vmem>>[vector<16xi32>, vector<16xi32>], vector<16xf32>,
      %mul3A_334 = arith.constant 8 : i32
      %mul3A_335 = arith.muli %add3A_39, %mul3A_334 : i32
      %add3A_336 = arith.constant 5 : i32
      %add3A_337 = arith.addi %mul3A_335, %add3A_336 : i32
      %mul3A_338 = arith.constant 64 : i32
      %mul3A_339 = arith.muli %add3A_337, %mul3A_338 : i32
      %add3A_340 = arith.constant 16 : i32
      %add3A_341 = arith.addi %mul3A_339, %add3A_340 : i32
      %swap3A_342 = arith.index_cast %add3A_341 : i32 to index
      %swap3A_343 = tpu.vector_load %arg8[%swap3A_342] {strides = array<i32>} : memref<13312xf32, #tpu.memory_space<vmem>>, vector<16xf32>,
      tpu.vector_store %arg8[%swap3A_342], %gather3A_333 {strides = array<i32>} : memref<13312xf32, #tpu.memory_space<vmem>>, vector<16xf32>,
      %get3A_344 = arith.constant 32 : index
      %get3A_345 = tpu.vector_load %arg5[%get3A_344] {strides = array<i32>} : memref<64xi32, #tpu.memory_space<vmem>>, vector<16xi32>,
      %gather3A_346 = tpu.vector_load_idx %arg6[%broadcast_in_dim3A_317, %get3A_345] : memref<8x4096xf32, #tpu.memory_space<vmem>>[vector<16xi32>, vector<16xi32>], vector<16xf32>,
      %mul3A_347 = arith.constant 8 : i32
      %mul3A_348 = arith.muli %add3A_39, %mul3A_347 : i32
      %add3A_349 = arith.constant 5 : i32
      %add3A_350 = arith.addi %mul3A_348, %add3A_349 : i32
      %mul3A_351 = arith.constant 64 : i32
      %mul3A_352 = arith.muli %add3A_350, %mul3A_351 : i32
      %add3A_353 = arith.constant 32 : i32
      %add3A_354 = arith.addi %mul3A_352, %add3A_353 : i32
      %swap3A_355 = arith.index_cast %add3A_354 : i32 to index
      %swap3A_356 = tpu.vector_load %arg8[%swap3A_355] {strides = array<i32>} : memref<13312xf32, #tpu.memory_space<vmem>>, vector<16xf32>,
      tpu.vector_store %arg8[%swap3A_355], %gather3A_346 {strides = array<i32>} : memref<13312xf32, #tpu.memory_space<vmem>>, vector<16xf32>,
      %get3A_357 = arith.constant 48 : index
      %get3A_358 = tpu.vector_load %arg5[%get3A_357] {strides = array<i32>} : memref<64xi32, #tpu.memory_space<vmem>>, vector<16xi32>,
      %gather3A_359 = tpu.vector_load_idx %arg6[%broadcast_in_dim3A_317, %get3A_358] : memref<8x4096xf32, #tpu.memory_space<vmem>>[vector<16xi32>, vector<16xi32>], vector<16xf32>,
      %mul3A_360 = arith.constant 8 : i32
      %mul3A_361 = arith.muli %add3A_39, %mul3A_360 : i32
      %add3A_362 = arith.constant 5 : i32
      %add3A_363 = arith.addi %mul3A_361, %add3A_362 : i32
      %mul3A_364 = arith.constant 64 : i32
      %mul3A_365 = arith.muli %add3A_363, %mul3A_364 : i32
      %add3A_366 = arith.constant 48 : i32
      %add3A_367 = arith.addi %mul3A_365, %add3A_366 : i32
      %swap3A_368 = arith.index_cast %add3A_367 : i32 to index
      %swap3A_369 = tpu.vector_load %arg8[%swap3A_368] {strides = array<i32>} : memref<13312xf32, #tpu.memory_space<vmem>>, vector<16xf32>,
      tpu.vector_store %arg8[%swap3A_368], %gather3A_359 {strides = array<i32>} : memref<13312xf32, #tpu.memory_space<vmem>>, vector<16xf32>,
      %broadcast_in_dim3A_370 = arith.constant 6 : i32
      %broadcast_in_dim3A_371 = vector.broadcast %broadcast_in_dim3A_370 : i32 to vector<16xi32>
      %get3A_372 = arith.constant 0 : index
      %get3A_373 = tpu.vector_load %arg5[%get3A_372] {strides = array<i32>} : memref<64xi32, #tpu.memory_space<vmem>>, vector<16xi32>,
      %gather3A_374 = tpu.vector_load_idx %arg6[%broadcast_in_dim3A_371, %get3A_373] : memref<8x4096xf32, #tpu.memory_space<vmem>>[vector<16xi32>, vector<16xi32>], vector<16xf32>,
      %mul3A_375 = arith.constant 8 : i32
      %mul3A_376 = arith.muli %add3A_39, %mul3A_375 : i32
      %add3A_377 = arith.constant 6 : i32
      %add3A_378 = arith.addi %mul3A_376, %add3A_377 : i32
      %mul3A_379 = arith.constant 64 : i32
      %mul3A_380 = arith.muli %add3A_378, %mul3A_379 : i32
      %add3A_381 = arith.constant 0 : i32
      %add3A_382 = arith.addi %mul3A_380, %add3A_381 : i32
      %swap3A_383 = arith.index_cast %add3A_382 : i32 to index
      %swap3A_384 = tpu.vector_load %arg8[%swap3A_383] {strides = array<i32>} : memref<13312xf32, #tpu.memory_space<vmem>>, vector<16xf32>,
      tpu.vector_store %arg8[%swap3A_383], %gather3A_374 {strides = array<i32>} : memref<13312xf32, #tpu.memory_space<vmem>>, vector<16xf32>,
      %get3A_385 = arith.constant 16 : index
      %get3A_386 = tpu.vector_load %arg5[%get3A_385] {strides = array<i32>} : memref<64xi32, #tpu.memory_space<vmem>>, vector<16xi32>,
      %gather3A_387 = tpu.vector_load_idx %arg6[%broadcast_in_dim3A_371, %get3A_386] : memref<8x4096xf32, #tpu.memory_space<vmem>>[vector<16xi32>, vector<16xi32>], vector<16xf32>,
      %mul3A_388 = arith.constant 8 : i32
      %mul3A_389 = arith.muli %add3A_39, %mul3A_388 : i32
      %add3A_390 = arith.constant 6 : i32
      %add3A_391 = arith.addi %mul3A_389, %add3A_390 : i32
      %mul3A_392 = arith.constant 64 : i32
      %mul3A_393 = arith.muli %add3A_391, %mul3A_392 : i32
      %add3A_394 = arith.constant 16 : i32
      %add3A_395 = arith.addi %mul3A_393, %add3A_394 : i32
      %swap3A_396 = arith.index_cast %add3A_395 : i32 to index
      %swap3A_397 = tpu.vector_load %arg8[%swap3A_396] {strides = array<i32>} : memref<13312xf32, #tpu.memory_space<vmem>>, vector<16xf32>,
      tpu.vector_store %arg8[%swap3A_396], %gather3A_387 {strides = array<i32>} : memref<13312xf32, #tpu.memory_space<vmem>>, vector<16xf32>,
      %get3A_398 = arith.constant 32 : index
      %get3A_399 = tpu.vector_load %arg5[%get3A_398] {strides = array<i32>} : memref<64xi32, #tpu.memory_space<vmem>>, vector<16xi32>,
      %gather3A_400 = tpu.vector_load_idx %arg6[%broadcast_in_dim3A_371, %get3A_399] : memref<8x4096xf32, #tpu.memory_space<vmem>>[vector<16xi32>, vector<16xi32>], vector<16xf32>,
      %mul3A_401 = arith.constant 8 : i32
      %mul3A_402 = arith.muli %add3A_39, %mul3A_401 : i32
      %add3A_403 = arith.constant 6 : i32
      %add3A_404 = arith.addi %mul3A_402, %add3A_403 : i32
      %mul3A_405 = arith.constant 64 : i32
      %mul3A_406 = arith.muli %add3A_404, %mul3A_405 : i32
      %add3A_407 = arith.constant 32 : i32
      %add3A_408 = arith.addi %mul3A_406, %add3A_407 : i32
      %swap3A_409 = arith.index_cast %add3A_408 : i32 to index
      %swap3A_410 = tpu.vector_load %arg8[%swap3A_409] {strides = array<i32>} : memref<13312xf32, #tpu.memory_space<vmem>>, vector<16xf32>,
      tpu.vector_store %arg8[%swap3A_409], %gather3A_400 {strides = array<i32>} : memref<13312xf32, #tpu.memory_space<vmem>>, vector<16xf32>,
      %get3A_411 = arith.constant 48 : index
      %get3A_412 = tpu.vector_load %arg5[%get3A_411] {strides = array<i32>} : memref<64xi32, #tpu.memory_space<vmem>>, vector<16xi32>,
      %gather3A_413 = tpu.vector_load_idx %arg6[%broadcast_in_dim3A_371, %get3A_412] : memref<8x4096xf32, #tpu.memory_space<vmem>>[vector<16xi32>, vector<16xi32>], vector<16xf32>,
      %mul3A_414 = arith.constant 8 : i32
      %mul3A_415 = arith.muli %add3A_39, %mul3A_414 : i32
      %add3A_416 = arith.constant 6 : i32
      %add3A_417 = arith.addi %mul3A_415, %add3A_416 : i32
      %mul3A_418 = arith.constant 64 : i32
      %mul3A_419 = arith.muli %add3A_417, %mul3A_418 : i32
      %add3A_420 = arith.constant 48 : i32
      %add3A_421 = arith.addi %mul3A_419, %add3A_420 : i32
      %swap3A_422 = arith.index_cast %add3A_421 : i32 to index
      %swap3A_423 = tpu.vector_load %arg8[%swap3A_422] {strides = array<i32>} : memref<13312xf32, #tpu.memory_space<vmem>>, vector<16xf32>,
      tpu.vector_store %arg8[%swap3A_422], %gather3A_413 {strides = array<i32>} : memref<13312xf32, #tpu.memory_space<vmem>>, vector<16xf32>,
      %broadcast_in_dim3A_424 = arith.constant 7 : i32
      %broadcast_in_dim3A_425 = vector.broadcast %broadcast_in_dim3A_424 : i32 to vector<16xi32>
      %get3A_426 = arith.constant 0 : index
      %get3A_427 = tpu.vector_load %arg5[%get3A_426] {strides = array<i32>} : memref<64xi32, #tpu.memory_space<vmem>>, vector<16xi32>,
      %gather3A_428 = tpu.vector_load_idx %arg6[%broadcast_in_dim3A_425, %get3A_427] : memref<8x4096xf32, #tpu.memory_space<vmem>>[vector<16xi32>, vector<16xi32>], vector<16xf32>,
      %mul3A_429 = arith.constant 8 : i32
      %mul3A_430 = arith.muli %add3A_39, %mul3A_429 : i32
      %add3A_431 = arith.constant 7 : i32
      %add3A_432 = arith.addi %mul3A_430, %add3A_431 : i32
      %mul3A_433 = arith.constant 64 : i32
      %mul3A_434 = arith.muli %add3A_432, %mul3A_433 : i32
      %add3A_435 = arith.constant 0 : i32
      %add3A_436 = arith.addi %mul3A_434, %add3A_435 : i32
      %swap3A_437 = arith.index_cast %add3A_436 : i32 to index
      %swap3A_438 = tpu.vector_load %arg8[%swap3A_437] {strides = array<i32>} : memref<13312xf32, #tpu.memory_space<vmem>>, vector<16xf32>,
      tpu.vector_store %arg8[%swap3A_437], %gather3A_428 {strides = array<i32>} : memref<13312xf32, #tpu.memory_space<vmem>>, vector<16xf32>,
      %get3A_439 = arith.constant 16 : index
      %get3A_440 = tpu.vector_load %arg5[%get3A_439] {strides = array<i32>} : memref<64xi32, #tpu.memory_space<vmem>>, vector<16xi32>,
      %gather3A_441 = tpu.vector_load_idx %arg6[%broadcast_in_dim3A_425, %get3A_440] : memref<8x4096xf32, #tpu.memory_space<vmem>>[vector<16xi32>, vector<16xi32>], vector<16xf32>,
      %mul3A_442 = arith.constant 8 : i32
      %mul3A_443 = arith.muli %add3A_39, %mul3A_442 : i32
      %add3A_444 = arith.constant 7 : i32
      %add3A_445 = arith.addi %mul3A_443, %add3A_444 : i32
      %mul3A_446 = arith.constant 64 : i32
      %mul3A_447 = arith.muli %add3A_445, %mul3A_446 : i32
      %add3A_448 = arith.constant 16 : i32
      %add3A_449 = arith.addi %mul3A_447, %add3A_448 : i32
      %swap3A_450 = arith.index_cast %add3A_449 : i32 to index
      %swap3A_451 = tpu.vector_load %arg8[%swap3A_450] {strides = array<i32>} : memref<13312xf32, #tpu.memory_space<vmem>>, vector<16xf32>,
      tpu.vector_store %arg8[%swap3A_450], %gather3A_441 {strides = array<i32>} : memref<13312xf32, #tpu.memory_space<vmem>>, vector<16xf32>,
      %get3A_452 = arith.constant 32 : index
      %get3A_453 = tpu.vector_load %arg5[%get3A_452] {strides = array<i32>} : memref<64xi32, #tpu.memory_space<vmem>>, vector<16xi32>,
      %gather3A_454 = tpu.vector_load_idx %arg6[%broadcast_in_dim3A_425, %get3A_453] : memref<8x4096xf32, #tpu.memory_space<vmem>>[vector<16xi32>, vector<16xi32>], vector<16xf32>,
      %mul3A_455 = arith.constant 8 : i32
      %mul3A_456 = arith.muli %add3A_39, %mul3A_455 : i32
      %add3A_457 = arith.constant 7 : i32
      %add3A_458 = arith.addi %mul3A_456, %add3A_457 : i32
      %mul3A_459 = arith.constant 64 : i32
      %mul3A_460 = arith.muli %add3A_458, %mul3A_459 : i32
      %add3A_461 = arith.constant 32 : i32
      %add3A_462 = arith.addi %mul3A_460, %add3A_461 : i32
      %swap3A_463 = arith.index_cast %add3A_462 : i32 to index
      %swap3A_464 = tpu.vector_load %arg8[%swap3A_463] {strides = array<i32>} : memref<13312xf32, #tpu.memory_space<vmem>>, vector<16xf32>,
      tpu.vector_store %arg8[%swap3A_463], %gather3A_454 {strides = array<i32>} : memref<13312xf32, #tpu.memory_space<vmem>>, vector<16xf32>,
      %get3A_465 = arith.constant 48 : index
      %get3A_466 = tpu.vector_load %arg5[%get3A_465] {strides = array<i32>} : memref<64xi32, #tpu.memory_space<vmem>>, vector<16xi32>,
      %gather3A_467 = tpu.vector_load_idx %arg6[%broadcast_in_dim3A_425, %get3A_466] : memref<8x4096xf32, #tpu.memory_space<vmem>>[vector<16xi32>, vector<16xi32>], vector<16xf32>,
      %mul3A_468 = arith.constant 8 : i32
      %mul3A_469 = arith.muli %add3A_39, %mul3A_468 : i32
      %add3A_470 = arith.constant 7 : i32
      %add3A_471 = arith.addi %mul3A_469, %add3A_470 : i32
      %mul3A_472 = arith.constant 64 : i32
      %mul3A_473 = arith.muli %add3A_471, %mul3A_472 : i32
      %add3A_474 = arith.constant 48 : i32
      %add3A_475 = arith.addi %mul3A_473, %add3A_474 : i32
      %swap3A_476 = arith.index_cast %add3A_475 : i32 to index
      %swap3A_477 = tpu.vector_load %arg8[%swap3A_476] {strides = array<i32>} : memref<13312xf32, #tpu.memory_space<vmem>>, vector<16xf32>,
      tpu.vector_store %arg8[%swap3A_476], %gather3A_467 {strides = array<i32>} : memref<13312xf32, #tpu.memory_space<vmem>>, vector<16xf32>,
      %add3A_478 = arith.constant 2 : i32
      %add3A_479 = arith.addi %add3A_39, %add3A_478 : i32
      %lt3A = arith.constant 26 : i32
      %lt3A_480 = arith.cmpi slt, %add3A_479, %lt3A : i32
      %convert_element_type3A = arith.extui %lt3A_480 : i1 to i32
      %cond3A = arith.constant 0 : i32
      %cond3A_481 = arith.cmpi ne, %convert_element_type3A, %cond3A : i32
      scf.if %cond3A_481 {
        %add3A_936 = arith.addi %add3A_4, %add3A_39 : i32
        %add3A_937 = arith.constant 2 : i32
        %add3A_938 = arith.addi %add3A_936, %add3A_937 : i32
        %dma_start3A_939 = tpu.memref_reshape %arg2 : memref<4x4096x4096xf32, #tpu.memory_space<hbm>> -> memref<2048x8x4096xf32, #tpu.memory_space<hbm>>
        %dma_start3A_940 = arith.constant 0 : i32
        %dma_start3A_941 = arith.constant 0 : i32
        %dma_start3A_942 = tpu.memref_slice %dma_start3A_939[%add3A_938, %dma_start3A_940, %dma_start3A_941] : memref<2048x8x4096xf32, #tpu.memory_space<hbm>> -> memref<1x8x4096xf32, #tpu.memory_space<hbm>>
        %dma_start3A_943 = tpu.memref_squeeze %dma_start3A_942 : memref<1x8x4096xf32, #tpu.memory_space<hbm>> -> memref<8x4096xf32, #tpu.memory_space<hbm>>
        %dma_start3A_944 = tpu.memref_reshape %arg2 : memref<4x4096x4096xf32, #tpu.memory_space<hbm>> -> memref<2048x8x4096xf32, #tpu.memory_space<hbm>>
        %dma_start3A_945 = arith.constant 0 : i32
        %dma_start3A_946 = arith.constant 0 : i32
        %dma_start3A_947 = tpu.memref_slice %dma_start3A_944[%add3A_938, %dma_start3A_945, %dma_start3A_946] : memref<2048x8x4096xf32, #tpu.memory_space<hbm>> -> memref<1x8x4096xf32, #tpu.memory_space<hbm>>
        %dma_start3A_948 = tpu.memref_squeeze %dma_start3A_947 : memref<1x8x4096xf32, #tpu.memory_space<hbm>> -> memref<8x4096xf32, #tpu.memory_space<hbm>>
        tpu.enqueue_dma source(%dma_start3A_948 : memref<8x4096xf32, #tpu.memory_space<hbm>>) target(%arg6 : memref<8x4096xf32, #tpu.memory_space<vmem>>) target_semaphore(%arg9 : memref<!tpu.dma_semaphore, #tpu.memory_space<semaphore_mem>>)
      } else {
      }
      %mul3A_482 = arith.constant 2 : i32
      %mul3A_483 = arith.muli %scan3A_35, %mul3A_482 : i32
      %add3A_484 = arith.constant 1 : i32
      %add3A_485 = arith.addi %mul3A_483, %add3A_484 : i32
      %add3A_486 = arith.addi %add3A_4, %add3A_485 : i32
      %dma_wait3A_487 = tpu.memref_reshape %arg2 : memref<4x4096x4096xf32, #tpu.memory_space<hbm>> -> memref<2048x8x4096xf32, #tpu.memory_space<hbm>>
      %dma_wait3A_488 = arith.constant 0 : i32
      %dma_wait3A_489 = arith.constant 0 : i32
      %dma_wait3A_490 = tpu.memref_slice %dma_wait3A_487[%add3A_486, %dma_wait3A_488, %dma_wait3A_489] : memref<2048x8x4096xf32, #tpu.memory_space<hbm>> -> memref<1x8x4096xf32, #tpu.memory_space<hbm>>
      %dma_wait3A_491 = tpu.memref_squeeze %dma_wait3A_490 : memref<1x8x4096xf32, #tpu.memory_space<hbm>> -> memref<8x4096xf32, #tpu.memory_space<hbm>>
      %dma_wait3A_492 = tpu.memref_reshape %arg2 : memref<4x4096x4096xf32, #tpu.memory_space<hbm>> -> memref<2048x8x4096xf32, #tpu.memory_space<hbm>>
      %dma_wait3A_493 = arith.constant 0 : i32
      %dma_wait3A_494 = arith.constant 0 : i32
      %dma_wait3A_495 = tpu.memref_slice %dma_wait3A_492[%add3A_486, %dma_wait3A_493, %dma_wait3A_494] : memref<2048x8x4096xf32, #tpu.memory_space<hbm>> -> memref<1x8x4096xf32, #tpu.memory_space<hbm>>
      %dma_wait3A_496 = tpu.memref_squeeze %dma_wait3A_495 : memref<1x8x4096xf32, #tpu.memory_space<hbm>> -> memref<8x4096xf32, #tpu.memory_space<hbm>>
      tpu.wait_dma2 semaphore(%arg10 : memref<!tpu.dma_semaphore, #tpu.memory_space<semaphore_mem>>) src(%dma_wait3A_496 : memref<8x4096xf32, #tpu.memory_space<hbm>>) dst(%arg7 : memref<8x4096xf32, #tpu.memory_space<vmem>>)
      %broadcast_in_dim3A_497 = arith.constant 0 : i32
      %broadcast_in_dim3A_498 = vector.broadcast %broadcast_in_dim3A_497 : i32 to vector<16xi32>
      %get3A_499 = arith.constant 0 : index
      %get3A_500 = tpu.vector_load %arg5[%get3A_499] {strides = array<i32>} : memref<64xi32, #tpu.memory_space<vmem>>, vector<16xi32>,
      %gather3A_501 = tpu.vector_load_idx %arg7[%broadcast_in_dim3A_498, %get3A_500] : memref<8x4096xf32, #tpu.memory_space<vmem>>[vector<16xi32>, vector<16xi32>], vector<16xf32>,
      %mul3A_502 = arith.constant 8 : i32
      %mul3A_503 = arith.muli %add3A_485, %mul3A_502 : i32
      %add3A_504 = arith.constant 0 : i32
      %add3A_505 = arith.addi %mul3A_503, %add3A_504 : i32
      %mul3A_506 = arith.constant 64 : i32
      %mul3A_507 = arith.muli %add3A_505, %mul3A_506 : i32
      %add3A_508 = arith.constant 0 : i32
      %add3A_509 = arith.addi %mul3A_507, %add3A_508 : i32
      %swap3A_510 = arith.index_cast %add3A_509 : i32 to index
      %swap3A_511 = tpu.vector_load %arg8[%swap3A_510] {strides = array<i32>} : memref<13312xf32, #tpu.memory_space<vmem>>, vector<16xf32>,
      tpu.vector_store %arg8[%swap3A_510], %gather3A_501 {strides = array<i32>} : memref<13312xf32, #tpu.memory_space<vmem>>, vector<16xf32>,
      %get3A_512 = arith.constant 16 : index
      %get3A_513 = tpu.vector_load %arg5[%get3A_512] {strides = array<i32>} : memref<64xi32, #tpu.memory_space<vmem>>, vector<16xi32>,
      %gather3A_514 = tpu.vector_load_idx %arg7[%broadcast_in_dim3A_498, %get3A_513] : memref<8x4096xf32, #tpu.memory_space<vmem>>[vector<16xi32>, vector<16xi32>], vector<16xf32>,
      %mul3A_515 = arith.constant 8 : i32
      %mul3A_516 = arith.muli %add3A_485, %mul3A_515 : i32
      %add3A_517 = arith.constant 0 : i32
      %add3A_518 = arith.addi %mul3A_516, %add3A_517 : i32
      %mul3A_519 = arith.constant 64 : i32
      %mul3A_520 = arith.muli %add3A_518, %mul3A_519 : i32
      %add3A_521 = arith.constant 16 : i32
      %add3A_522 = arith.addi %mul3A_520, %add3A_521 : i32
      %swap3A_523 = arith.index_cast %add3A_522 : i32 to index
      %swap3A_524 = tpu.vector_load %arg8[%swap3A_523] {strides = array<i32>} : memref<13312xf32, #tpu.memory_space<vmem>>, vector<16xf32>,
      tpu.vector_store %arg8[%swap3A_523], %gather3A_514 {strides = array<i32>} : memref<13312xf32, #tpu.memory_space<vmem>>, vector<16xf32>,
      %get3A_525 = arith.constant 32 : index
      %get3A_526 = tpu.vector_load %arg5[%get3A_525] {strides = array<i32>} : memref<64xi32, #tpu.memory_space<vmem>>, vector<16xi32>,
      %gather3A_527 = tpu.vector_load_idx %arg7[%broadcast_in_dim3A_498, %get3A_526] : memref<8x4096xf32, #tpu.memory_space<vmem>>[vector<16xi32>, vector<16xi32>], vector<16xf32>,
      %mul3A_528 = arith.constant 8 : i32
      %mul3A_529 = arith.muli %add3A_485, %mul3A_528 : i32
      %add3A_530 = arith.constant 0 : i32
      %add3A_531 = arith.addi %mul3A_529, %add3A_530 : i32
      %mul3A_532 = arith.constant 64 : i32
      %mul3A_533 = arith.muli %add3A_531, %mul3A_532 : i32
      %add3A_534 = arith.constant 32 : i32
      %add3A_535 = arith.addi %mul3A_533, %add3A_534 : i32
      %swap3A_536 = arith.index_cast %add3A_535 : i32 to index
      %swap3A_537 = tpu.vector_load %arg8[%swap3A_536] {strides = array<i32>} : memref<13312xf32, #tpu.memory_space<vmem>>, vector<16xf32>,
      tpu.vector_store %arg8[%swap3A_536], %gather3A_527 {strides = array<i32>} : memref<13312xf32, #tpu.memory_space<vmem>>, vector<16xf32>,
      %get3A_538 = arith.constant 48 : index
      %get3A_539 = tpu.vector_load %arg5[%get3A_538] {strides = array<i32>} : memref<64xi32, #tpu.memory_space<vmem>>, vector<16xi32>,
      %gather3A_540 = tpu.vector_load_idx %arg7[%broadcast_in_dim3A_498, %get3A_539] : memref<8x4096xf32, #tpu.memory_space<vmem>>[vector<16xi32>, vector<16xi32>], vector<16xf32>,
      %mul3A_541 = arith.constant 8 : i32
      %mul3A_542 = arith.muli %add3A_485, %mul3A_541 : i32
      %add3A_543 = arith.constant 0 : i32
      %add3A_544 = arith.addi %mul3A_542, %add3A_543 : i32
      %mul3A_545 = arith.constant 64 : i32
      %mul3A_546 = arith.muli %add3A_544, %mul3A_545 : i32
      %add3A_547 = arith.constant 48 : i32
      %add3A_548 = arith.addi %mul3A_546, %add3A_547 : i32
      %swap3A_549 = arith.index_cast %add3A_548 : i32 to index
      %swap3A_550 = tpu.vector_load %arg8[%swap3A_549] {strides = array<i32>} : memref<13312xf32, #tpu.memory_space<vmem>>, vector<16xf32>,
      tpu.vector_store %arg8[%swap3A_549], %gather3A_540 {strides = array<i32>} : memref<13312xf32, #tpu.memory_space<vmem>>, vector<16xf32>,
      %broadcast_in_dim3A_551 = arith.constant 1 : i32
      %broadcast_in_dim3A_552 = vector.broadcast %broadcast_in_dim3A_551 : i32 to vector<16xi32>
      %get3A_553 = arith.constant 0 : index
      %get3A_554 = tpu.vector_load %arg5[%get3A_553] {strides = array<i32>} : memref<64xi32, #tpu.memory_space<vmem>>, vector<16xi32>,
      %gather3A_555 = tpu.vector_load_idx %arg7[%broadcast_in_dim3A_552, %get3A_554] : memref<8x4096xf32, #tpu.memory_space<vmem>>[vector<16xi32>, vector<16xi32>], vector<16xf32>,
      %mul3A_556 = arith.constant 8 : i32
      %mul3A_557 = arith.muli %add3A_485, %mul3A_556 : i32
      %add3A_558 = arith.constant 1 : i32
      %add3A_559 = arith.addi %mul3A_557, %add3A_558 : i32
      %mul3A_560 = arith.constant 64 : i32
      %mul3A_561 = arith.muli %add3A_559, %mul3A_560 : i32
      %add3A_562 = arith.constant 0 : i32
      %add3A_563 = arith.addi %mul3A_561, %add3A_562 : i32
      %swap3A_564 = arith.index_cast %add3A_563 : i32 to index
      %swap3A_565 = tpu.vector_load %arg8[%swap3A_564] {strides = array<i32>} : memref<13312xf32, #tpu.memory_space<vmem>>, vector<16xf32>,
      tpu.vector_store %arg8[%swap3A_564], %gather3A_555 {strides = array<i32>} : memref<13312xf32, #tpu.memory_space<vmem>>, vector<16xf32>,
      %get3A_566 = arith.constant 16 : index
      %get3A_567 = tpu.vector_load %arg5[%get3A_566] {strides = array<i32>} : memref<64xi32, #tpu.memory_space<vmem>>, vector<16xi32>,
      %gather3A_568 = tpu.vector_load_idx %arg7[%broadcast_in_dim3A_552, %get3A_567] : memref<8x4096xf32, #tpu.memory_space<vmem>>[vector<16xi32>, vector<16xi32>], vector<16xf32>,
      %mul3A_569 = arith.constant 8 : i32
      %mul3A_570 = arith.muli %add3A_485, %mul3A_569 : i32
      %add3A_571 = arith.constant 1 : i32
      %add3A_572 = arith.addi %mul3A_570, %add3A_571 : i32
      %mul3A_573 = arith.constant 64 : i32
      %mul3A_574 = arith.muli %add3A_572, %mul3A_573 : i32
      %add3A_575 = arith.constant 16 : i32
      %add3A_576 = arith.addi %mul3A_574, %add3A_575 : i32
      %swap3A_577 = arith.index_cast %add3A_576 : i32 to index
      %swap3A_578 = tpu.vector_load %arg8[%swap3A_577] {strides = array<i32>} : memref<13312xf32, #tpu.memory_space<vmem>>, vector<16xf32>,
      tpu.vector_store %arg8[%swap3A_577], %gather3A_568 {strides = array<i32>} : memref<13312xf32, #tpu.memory_space<vmem>>, vector<16xf32>,
      %get3A_579 = arith.constant 32 : index
      %get3A_580 = tpu.vector_load %arg5[%get3A_579] {strides = array<i32>} : memref<64xi32, #tpu.memory_space<vmem>>, vector<16xi32>,
      %gather3A_581 = tpu.vector_load_idx %arg7[%broadcast_in_dim3A_552, %get3A_580] : memref<8x4096xf32, #tpu.memory_space<vmem>>[vector<16xi32>, vector<16xi32>], vector<16xf32>,
      %mul3A_582 = arith.constant 8 : i32
      %mul3A_583 = arith.muli %add3A_485, %mul3A_582 : i32
      %add3A_584 = arith.constant 1 : i32
      %add3A_585 = arith.addi %mul3A_583, %add3A_584 : i32
      %mul3A_586 = arith.constant 64 : i32
      %mul3A_587 = arith.muli %add3A_585, %mul3A_586 : i32
      %add3A_588 = arith.constant 32 : i32
      %add3A_589 = arith.addi %mul3A_587, %add3A_588 : i32
      %swap3A_590 = arith.index_cast %add3A_589 : i32 to index
      %swap3A_591 = tpu.vector_load %arg8[%swap3A_590] {strides = array<i32>} : memref<13312xf32, #tpu.memory_space<vmem>>, vector<16xf32>,
      tpu.vector_store %arg8[%swap3A_590], %gather3A_581 {strides = array<i32>} : memref<13312xf32, #tpu.memory_space<vmem>>, vector<16xf32>,
      %get3A_592 = arith.constant 48 : index
      %get3A_593 = tpu.vector_load %arg5[%get3A_592] {strides = array<i32>} : memref<64xi32, #tpu.memory_space<vmem>>, vector<16xi32>,
      %gather3A_594 = tpu.vector_load_idx %arg7[%broadcast_in_dim3A_552, %get3A_593] : memref<8x4096xf32, #tpu.memory_space<vmem>>[vector<16xi32>, vector<16xi32>], vector<16xf32>,
      %mul3A_595 = arith.constant 8 : i32
      %mul3A_596 = arith.muli %add3A_485, %mul3A_595 : i32
      %add3A_597 = arith.constant 1 : i32
      %add3A_598 = arith.addi %mul3A_596, %add3A_597 : i32
      %mul3A_599 = arith.constant 64 : i32
      %mul3A_600 = arith.muli %add3A_598, %mul3A_599 : i32
      %add3A_601 = arith.constant 48 : i32
      %add3A_602 = arith.addi %mul3A_600, %add3A_601 : i32
      %swap3A_603 = arith.index_cast %add3A_602 : i32 to index
      %swap3A_604 = tpu.vector_load %arg8[%swap3A_603] {strides = array<i32>} : memref<13312xf32, #tpu.memory_space<vmem>>, vector<16xf32>,
      tpu.vector_store %arg8[%swap3A_603], %gather3A_594 {strides = array<i32>} : memref<13312xf32, #tpu.memory_space<vmem>>, vector<16xf32>,
      %broadcast_in_dim3A_605 = arith.constant 2 : i32
      %broadcast_in_dim3A_606 = vector.broadcast %broadcast_in_dim3A_605 : i32 to vector<16xi32>
      %get3A_607 = arith.constant 0 : index
      %get3A_608 = tpu.vector_load %arg5[%get3A_607] {strides = array<i32>} : memref<64xi32, #tpu.memory_space<vmem>>, vector<16xi32>,
      %gather3A_609 = tpu.vector_load_idx %arg7[%broadcast_in_dim3A_606, %get3A_608] : memref<8x4096xf32, #tpu.memory_space<vmem>>[vector<16xi32>, vector<16xi32>], vector<16xf32>,
      %mul3A_610 = arith.constant 8 : i32
      %mul3A_611 = arith.muli %add3A_485, %mul3A_610 : i32
      %add3A_612 = arith.constant 2 : i32
      %add3A_613 = arith.addi %mul3A_611, %add3A_612 : i32
      %mul3A_614 = arith.constant 64 : i32
      %mul3A_615 = arith.muli %add3A_613, %mul3A_614 : i32
      %add3A_616 = arith.constant 0 : i32
      %add3A_617 = arith.addi %mul3A_615, %add3A_616 : i32
      %swap3A_618 = arith.index_cast %add3A_617 : i32 to index
      %swap3A_619 = tpu.vector_load %arg8[%swap3A_618] {strides = array<i32>} : memref<13312xf32, #tpu.memory_space<vmem>>, vector<16xf32>,
      tpu.vector_store %arg8[%swap3A_618], %gather3A_609 {strides = array<i32>} : memref<13312xf32, #tpu.memory_space<vmem>>, vector<16xf32>,
      %get3A_620 = arith.constant 16 : index
      %get3A_621 = tpu.vector_load %arg5[%get3A_620] {strides = array<i32>} : memref<64xi32, #tpu.memory_space<vmem>>, vector<16xi32>,
      %gather3A_622 = tpu.vector_load_idx %arg7[%broadcast_in_dim3A_606, %get3A_621] : memref<8x4096xf32, #tpu.memory_space<vmem>>[vector<16xi32>, vector<16xi32>], vector<16xf32>,
      %mul3A_623 = arith.constant 8 : i32
      %mul3A_624 = arith.muli %add3A_485, %mul3A_623 : i32
      %add3A_625 = arith.constant 2 : i32
      %add3A_626 = arith.addi %mul3A_624, %add3A_625 : i32
      %mul3A_627 = arith.constant 64 : i32
      %mul3A_628 = arith.muli %add3A_626, %mul3A_627 : i32
      %add3A_629 = arith.constant 16 : i32
      %add3A_630 = arith.addi %mul3A_628, %add3A_629 : i32
      %swap3A_631 = arith.index_cast %add3A_630 : i32 to index
      %swap3A_632 = tpu.vector_load %arg8[%swap3A_631] {strides = array<i32>} : memref<13312xf32, #tpu.memory_space<vmem>>, vector<16xf32>,
      tpu.vector_store %arg8[%swap3A_631], %gather3A_622 {strides = array<i32>} : memref<13312xf32, #tpu.memory_space<vmem>>, vector<16xf32>,
      %get3A_633 = arith.constant 32 : index
      %get3A_634 = tpu.vector_load %arg5[%get3A_633] {strides = array<i32>} : memref<64xi32, #tpu.memory_space<vmem>>, vector<16xi32>,
      %gather3A_635 = tpu.vector_load_idx %arg7[%broadcast_in_dim3A_606, %get3A_634] : memref<8x4096xf32, #tpu.memory_space<vmem>>[vector<16xi32>, vector<16xi32>], vector<16xf32>,
      %mul3A_636 = arith.constant 8 : i32
      %mul3A_637 = arith.muli %add3A_485, %mul3A_636 : i32
      %add3A_638 = arith.constant 2 : i32
      %add3A_639 = arith.addi %mul3A_637, %add3A_638 : i32
      %mul3A_640 = arith.constant 64 : i32
      %mul3A_641 = arith.muli %add3A_639, %mul3A_640 : i32
      %add3A_642 = arith.constant 32 : i32
      %add3A_643 = arith.addi %mul3A_641, %add3A_642 : i32
      %swap3A_644 = arith.index_cast %add3A_643 : i32 to index
      %swap3A_645 = tpu.vector_load %arg8[%swap3A_644] {strides = array<i32>} : memref<13312xf32, #tpu.memory_space<vmem>>, vector<16xf32>,
      tpu.vector_store %arg8[%swap3A_644], %gather3A_635 {strides = array<i32>} : memref<13312xf32, #tpu.memory_space<vmem>>, vector<16xf32>,
      %get3A_646 = arith.constant 48 : index
      %get3A_647 = tpu.vector_load %arg5[%get3A_646] {strides = array<i32>} : memref<64xi32, #tpu.memory_space<vmem>>, vector<16xi32>,
      %gather3A_648 = tpu.vector_load_idx %arg7[%broadcast_in_dim3A_606, %get3A_647] : memref<8x4096xf32, #tpu.memory_space<vmem>>[vector<16xi32>, vector<16xi32>], vector<16xf32>,
      %mul3A_649 = arith.constant 8 : i32
      %mul3A_650 = arith.muli %add3A_485, %mul3A_649 : i32
      %add3A_651 = arith.constant 2 : i32
      %add3A_652 = arith.addi %mul3A_650, %add3A_651 : i32
      %mul3A_653 = arith.constant 64 : i32
      %mul3A_654 = arith.muli %add3A_652, %mul3A_653 : i32
      %add3A_655 = arith.constant 48 : i32
      %add3A_656 = arith.addi %mul3A_654, %add3A_655 : i32
      %swap3A_657 = arith.index_cast %add3A_656 : i32 to index
      %swap3A_658 = tpu.vector_load %arg8[%swap3A_657] {strides = array<i32>} : memref<13312xf32, #tpu.memory_space<vmem>>, vector<16xf32>,
      tpu.vector_store %arg8[%swap3A_657], %gather3A_648 {strides = array<i32>} : memref<13312xf32, #tpu.memory_space<vmem>>, vector<16xf32>,
      %broadcast_in_dim3A_659 = arith.constant 3 : i32
      %broadcast_in_dim3A_660 = vector.broadcast %broadcast_in_dim3A_659 : i32 to vector<16xi32>
      %get3A_661 = arith.constant 0 : index
      %get3A_662 = tpu.vector_load %arg5[%get3A_661] {strides = array<i32>} : memref<64xi32, #tpu.memory_space<vmem>>, vector<16xi32>,
      %gather3A_663 = tpu.vector_load_idx %arg7[%broadcast_in_dim3A_660, %get3A_662] : memref<8x4096xf32, #tpu.memory_space<vmem>>[vector<16xi32>, vector<16xi32>], vector<16xf32>,
      %mul3A_664 = arith.constant 8 : i32
      %mul3A_665 = arith.muli %add3A_485, %mul3A_664 : i32
      %add3A_666 = arith.constant 3 : i32
      %add3A_667 = arith.addi %mul3A_665, %add3A_666 : i32
      %mul3A_668 = arith.constant 64 : i32
      %mul3A_669 = arith.muli %add3A_667, %mul3A_668 : i32
      %add3A_670 = arith.constant 0 : i32
      %add3A_671 = arith.addi %mul3A_669, %add3A_670 : i32
      %swap3A_672 = arith.index_cast %add3A_671 : i32 to index
      %swap3A_673 = tpu.vector_load %arg8[%swap3A_672] {strides = array<i32>} : memref<13312xf32, #tpu.memory_space<vmem>>, vector<16xf32>,
      tpu.vector_store %arg8[%swap3A_672], %gather3A_663 {strides = array<i32>} : memref<13312xf32, #tpu.memory_space<vmem>>, vector<16xf32>,
      %get3A_674 = arith.constant 16 : index
      %get3A_675 = tpu.vector_load %arg5[%get3A_674] {strides = array<i32>} : memref<64xi32, #tpu.memory_space<vmem>>, vector<16xi32>,
      %gather3A_676 = tpu.vector_load_idx %arg7[%broadcast_in_dim3A_660, %get3A_675] : memref<8x4096xf32, #tpu.memory_space<vmem>>[vector<16xi32>, vector<16xi32>], vector<16xf32>,
      %mul3A_677 = arith.constant 8 : i32
      %mul3A_678 = arith.muli %add3A_485, %mul3A_677 : i32
      %add3A_679 = arith.constant 3 : i32
      %add3A_680 = arith.addi %mul3A_678, %add3A_679 : i32
      %mul3A_681 = arith.constant 64 : i32
      %mul3A_682 = arith.muli %add3A_680, %mul3A_681 : i32
      %add3A_683 = arith.constant 16 : i32
      %add3A_684 = arith.addi %mul3A_682, %add3A_683 : i32
      %swap3A_685 = arith.index_cast %add3A_684 : i32 to index
      %swap3A_686 = tpu.vector_load %arg8[%swap3A_685] {strides = array<i32>} : memref<13312xf32, #tpu.memory_space<vmem>>, vector<16xf32>,
      tpu.vector_store %arg8[%swap3A_685], %gather3A_676 {strides = array<i32>} : memref<13312xf32, #tpu.memory_space<vmem>>, vector<16xf32>,
      %get3A_687 = arith.constant 32 : index
      %get3A_688 = tpu.vector_load %arg5[%get3A_687] {strides = array<i32>} : memref<64xi32, #tpu.memory_space<vmem>>, vector<16xi32>,
      %gather3A_689 = tpu.vector_load_idx %arg7[%broadcast_in_dim3A_660, %get3A_688] : memref<8x4096xf32, #tpu.memory_space<vmem>>[vector<16xi32>, vector<16xi32>], vector<16xf32>,
      %mul3A_690 = arith.constant 8 : i32
      %mul3A_691 = arith.muli %add3A_485, %mul3A_690 : i32
      %add3A_692 = arith.constant 3 : i32
      %add3A_693 = arith.addi %mul3A_691, %add3A_692 : i32
      %mul3A_694 = arith.constant 64 : i32
      %mul3A_695 = arith.muli %add3A_693, %mul3A_694 : i32
      %add3A_696 = arith.constant 32 : i32
      %add3A_697 = arith.addi %mul3A_695, %add3A_696 : i32
      %swap3A_698 = arith.index_cast %add3A_697 : i32 to index
      %swap3A_699 = tpu.vector_load %arg8[%swap3A_698] {strides = array<i32>} : memref<13312xf32, #tpu.memory_space<vmem>>, vector<16xf32>,
      tpu.vector_store %arg8[%swap3A_698], %gather3A_689 {strides = array<i32>} : memref<13312xf32, #tpu.memory_space<vmem>>, vector<16xf32>,
      %get3A_700 = arith.constant 48 : index
      %get3A_701 = tpu.vector_load %arg5[%get3A_700] {strides = array<i32>} : memref<64xi32, #tpu.memory_space<vmem>>, vector<16xi32>,
      %gather3A_702 = tpu.vector_load_idx %arg7[%broadcast_in_dim3A_660, %get3A_701] : memref<8x4096xf32, #tpu.memory_space<vmem>>[vector<16xi32>, vector<16xi32>], vector<16xf32>,
      %mul3A_703 = arith.constant 8 : i32
      %mul3A_704 = arith.muli %add3A_485, %mul3A_703 : i32
      %add3A_705 = arith.constant 3 : i32
      %add3A_706 = arith.addi %mul3A_704, %add3A_705 : i32
      %mul3A_707 = arith.constant 64 : i32
      %mul3A_708 = arith.muli %add3A_706, %mul3A_707 : i32
      %add3A_709 = arith.constant 48 : i32
      %add3A_710 = arith.addi %mul3A_708, %add3A_709 : i32
      %swap3A_711 = arith.index_cast %add3A_710 : i32 to index
      %swap3A_712 = tpu.vector_load %arg8[%swap3A_711] {strides = array<i32>} : memref<13312xf32, #tpu.memory_space<vmem>>, vector<16xf32>,
      tpu.vector_store %arg8[%swap3A_711], %gather3A_702 {strides = array<i32>} : memref<13312xf32, #tpu.memory_space<vmem>>, vector<16xf32>,
      %broadcast_in_dim3A_713 = arith.constant 4 : i32
      %broadcast_in_dim3A_714 = vector.broadcast %broadcast_in_dim3A_713 : i32 to vector<16xi32>
      %get3A_715 = arith.constant 0 : index
      %get3A_716 = tpu.vector_load %arg5[%get3A_715] {strides = array<i32>} : memref<64xi32, #tpu.memory_space<vmem>>, vector<16xi32>,
      %gather3A_717 = tpu.vector_load_idx %arg7[%broadcast_in_dim3A_714, %get3A_716] : memref<8x4096xf32, #tpu.memory_space<vmem>>[vector<16xi32>, vector<16xi32>], vector<16xf32>,
      %mul3A_718 = arith.constant 8 : i32
      %mul3A_719 = arith.muli %add3A_485, %mul3A_718 : i32
      %add3A_720 = arith.constant 4 : i32
      %add3A_721 = arith.addi %mul3A_719, %add3A_720 : i32
      %mul3A_722 = arith.constant 64 : i32
      %mul3A_723 = arith.muli %add3A_721, %mul3A_722 : i32
      %add3A_724 = arith.constant 0 : i32
      %add3A_725 = arith.addi %mul3A_723, %add3A_724 : i32
      %swap3A_726 = arith.index_cast %add3A_725 : i32 to index
      %swap3A_727 = tpu.vector_load %arg8[%swap3A_726] {strides = array<i32>} : memref<13312xf32, #tpu.memory_space<vmem>>, vector<16xf32>,
      tpu.vector_store %arg8[%swap3A_726], %gather3A_717 {strides = array<i32>} : memref<13312xf32, #tpu.memory_space<vmem>>, vector<16xf32>,
      %get3A_728 = arith.constant 16 : index
      %get3A_729 = tpu.vector_load %arg5[%get3A_728] {strides = array<i32>} : memref<64xi32, #tpu.memory_space<vmem>>, vector<16xi32>,
      %gather3A_730 = tpu.vector_load_idx %arg7[%broadcast_in_dim3A_714, %get3A_729] : memref<8x4096xf32, #tpu.memory_space<vmem>>[vector<16xi32>, vector<16xi32>], vector<16xf32>,
      %mul3A_731 = arith.constant 8 : i32
      %mul3A_732 = arith.muli %add3A_485, %mul3A_731 : i32
      %add3A_733 = arith.constant 4 : i32
      %add3A_734 = arith.addi %mul3A_732, %add3A_733 : i32
      %mul3A_735 = arith.constant 64 : i32
      %mul3A_736 = arith.muli %add3A_734, %mul3A_735 : i32
      %add3A_737 = arith.constant 16 : i32
      %add3A_738 = arith.addi %mul3A_736, %add3A_737 : i32
      %swap3A_739 = arith.index_cast %add3A_738 : i32 to index
      %swap3A_740 = tpu.vector_load %arg8[%swap3A_739] {strides = array<i32>} : memref<13312xf32, #tpu.memory_space<vmem>>, vector<16xf32>,
      tpu.vector_store %arg8[%swap3A_739], %gather3A_730 {strides = array<i32>} : memref<13312xf32, #tpu.memory_space<vmem>>, vector<16xf32>,
      %get3A_741 = arith.constant 32 : index
      %get3A_742 = tpu.vector_load %arg5[%get3A_741] {strides = array<i32>} : memref<64xi32, #tpu.memory_space<vmem>>, vector<16xi32>,
      %gather3A_743 = tpu.vector_load_idx %arg7[%broadcast_in_dim3A_714, %get3A_742] : memref<8x4096xf32, #tpu.memory_space<vmem>>[vector<16xi32>, vector<16xi32>], vector<16xf32>,
      %mul3A_744 = arith.constant 8 : i32
      %mul3A_745 = arith.muli %add3A_485, %mul3A_744 : i32
      %add3A_746 = arith.constant 4 : i32
      %add3A_747 = arith.addi %mul3A_745, %add3A_746 : i32
      %mul3A_748 = arith.constant 64 : i32
      %mul3A_749 = arith.muli %add3A_747, %mul3A_748 : i32
      %add3A_750 = arith.constant 32 : i32
      %add3A_751 = arith.addi %mul3A_749, %add3A_750 : i32
      %swap3A_752 = arith.index_cast %add3A_751 : i32 to index
      %swap3A_753 = tpu.vector_load %arg8[%swap3A_752] {strides = array<i32>} : memref<13312xf32, #tpu.memory_space<vmem>>, vector<16xf32>,
      tpu.vector_store %arg8[%swap3A_752], %gather3A_743 {strides = array<i32>} : memref<13312xf32, #tpu.memory_space<vmem>>, vector<16xf32>,
      %get3A_754 = arith.constant 48 : index
      %get3A_755 = tpu.vector_load %arg5[%get3A_754] {strides = array<i32>} : memref<64xi32, #tpu.memory_space<vmem>>, vector<16xi32>,
      %gather3A_756 = tpu.vector_load_idx %arg7[%broadcast_in_dim3A_714, %get3A_755] : memref<8x4096xf32, #tpu.memory_space<vmem>>[vector<16xi32>, vector<16xi32>], vector<16xf32>,
      %mul3A_757 = arith.constant 8 : i32
      %mul3A_758 = arith.muli %add3A_485, %mul3A_757 : i32
      %add3A_759 = arith.constant 4 : i32
      %add3A_760 = arith.addi %mul3A_758, %add3A_759 : i32
      %mul3A_761 = arith.constant 64 : i32
      %mul3A_762 = arith.muli %add3A_760, %mul3A_761 : i32
      %add3A_763 = arith.constant 48 : i32
      %add3A_764 = arith.addi %mul3A_762, %add3A_763 : i32
      %swap3A_765 = arith.index_cast %add3A_764 : i32 to index
      %swap3A_766 = tpu.vector_load %arg8[%swap3A_765] {strides = array<i32>} : memref<13312xf32, #tpu.memory_space<vmem>>, vector<16xf32>,
      tpu.vector_store %arg8[%swap3A_765], %gather3A_756 {strides = array<i32>} : memref<13312xf32, #tpu.memory_space<vmem>>, vector<16xf32>,
      %broadcast_in_dim3A_767 = arith.constant 5 : i32
      %broadcast_in_dim3A_768 = vector.broadcast %broadcast_in_dim3A_767 : i32 to vector<16xi32>
      %get3A_769 = arith.constant 0 : index
      %get3A_770 = tpu.vector_load %arg5[%get3A_769] {strides = array<i32>} : memref<64xi32, #tpu.memory_space<vmem>>, vector<16xi32>,
      %gather3A_771 = tpu.vector_load_idx %arg7[%broadcast_in_dim3A_768, %get3A_770] : memref<8x4096xf32, #tpu.memory_space<vmem>>[vector<16xi32>, vector<16xi32>], vector<16xf32>,
      %mul3A_772 = arith.constant 8 : i32
      %mul3A_773 = arith.muli %add3A_485, %mul3A_772 : i32
      %add3A_774 = arith.constant 5 : i32
      %add3A_775 = arith.addi %mul3A_773, %add3A_774 : i32
      %mul3A_776 = arith.constant 64 : i32
      %mul3A_777 = arith.muli %add3A_775, %mul3A_776 : i32
      %add3A_778 = arith.constant 0 : i32
      %add3A_779 = arith.addi %mul3A_777, %add3A_778 : i32
      %swap3A_780 = arith.index_cast %add3A_779 : i32 to index
      %swap3A_781 = tpu.vector_load %arg8[%swap3A_780] {strides = array<i32>} : memref<13312xf32, #tpu.memory_space<vmem>>, vector<16xf32>,
      tpu.vector_store %arg8[%swap3A_780], %gather3A_771 {strides = array<i32>} : memref<13312xf32, #tpu.memory_space<vmem>>, vector<16xf32>,
      %get3A_782 = arith.constant 16 : index
      %get3A_783 = tpu.vector_load %arg5[%get3A_782] {strides = array<i32>} : memref<64xi32, #tpu.memory_space<vmem>>, vector<16xi32>,
      %gather3A_784 = tpu.vector_load_idx %arg7[%broadcast_in_dim3A_768, %get3A_783] : memref<8x4096xf32, #tpu.memory_space<vmem>>[vector<16xi32>, vector<16xi32>], vector<16xf32>,
      %mul3A_785 = arith.constant 8 : i32
      %mul3A_786 = arith.muli %add3A_485, %mul3A_785 : i32
      %add3A_787 = arith.constant 5 : i32
      %add3A_788 = arith.addi %mul3A_786, %add3A_787 : i32
      %mul3A_789 = arith.constant 64 : i32
      %mul3A_790 = arith.muli %add3A_788, %mul3A_789 : i32
      %add3A_791 = arith.constant 16 : i32
      %add3A_792 = arith.addi %mul3A_790, %add3A_791 : i32
      %swap3A_793 = arith.index_cast %add3A_792 : i32 to index
      %swap3A_794 = tpu.vector_load %arg8[%swap3A_793] {strides = array<i32>} : memref<13312xf32, #tpu.memory_space<vmem>>, vector<16xf32>,
      tpu.vector_store %arg8[%swap3A_793], %gather3A_784 {strides = array<i32>} : memref<13312xf32, #tpu.memory_space<vmem>>, vector<16xf32>,
      %get3A_795 = arith.constant 32 : index
      %get3A_796 = tpu.vector_load %arg5[%get3A_795] {strides = array<i32>} : memref<64xi32, #tpu.memory_space<vmem>>, vector<16xi32>,
      %gather3A_797 = tpu.vector_load_idx %arg7[%broadcast_in_dim3A_768, %get3A_796] : memref<8x4096xf32, #tpu.memory_space<vmem>>[vector<16xi32>, vector<16xi32>], vector<16xf32>,
      %mul3A_798 = arith.constant 8 : i32
      %mul3A_799 = arith.muli %add3A_485, %mul3A_798 : i32
      %add3A_800 = arith.constant 5 : i32
      %add3A_801 = arith.addi %mul3A_799, %add3A_800 : i32
      %mul3A_802 = arith.constant 64 : i32
      %mul3A_803 = arith.muli %add3A_801, %mul3A_802 : i32
      %add3A_804 = arith.constant 32 : i32
      %add3A_805 = arith.addi %mul3A_803, %add3A_804 : i32
      %swap3A_806 = arith.index_cast %add3A_805 : i32 to index
      %swap3A_807 = tpu.vector_load %arg8[%swap3A_806] {strides = array<i32>} : memref<13312xf32, #tpu.memory_space<vmem>>, vector<16xf32>,
      tpu.vector_store %arg8[%swap3A_806], %gather3A_797 {strides = array<i32>} : memref<13312xf32, #tpu.memory_space<vmem>>, vector<16xf32>,
      %get3A_808 = arith.constant 48 : index
      %get3A_809 = tpu.vector_load %arg5[%get3A_808] {strides = array<i32>} : memref<64xi32, #tpu.memory_space<vmem>>, vector<16xi32>,
      %gather3A_810 = tpu.vector_load_idx %arg7[%broadcast_in_dim3A_768, %get3A_809] : memref<8x4096xf32, #tpu.memory_space<vmem>>[vector<16xi32>, vector<16xi32>], vector<16xf32>,
      %mul3A_811 = arith.constant 8 : i32
      %mul3A_812 = arith.muli %add3A_485, %mul3A_811 : i32
      %add3A_813 = arith.constant 5 : i32
      %add3A_814 = arith.addi %mul3A_812, %add3A_813 : i32
      %mul3A_815 = arith.constant 64 : i32
      %mul3A_816 = arith.muli %add3A_814, %mul3A_815 : i32
      %add3A_817 = arith.constant 48 : i32
      %add3A_818 = arith.addi %mul3A_816, %add3A_817 : i32
      %swap3A_819 = arith.index_cast %add3A_818 : i32 to index
      %swap3A_820 = tpu.vector_load %arg8[%swap3A_819] {strides = array<i32>} : memref<13312xf32, #tpu.memory_space<vmem>>, vector<16xf32>,
      tpu.vector_store %arg8[%swap3A_819], %gather3A_810 {strides = array<i32>} : memref<13312xf32, #tpu.memory_space<vmem>>, vector<16xf32>,
      %broadcast_in_dim3A_821 = arith.constant 6 : i32
      %broadcast_in_dim3A_822 = vector.broadcast %broadcast_in_dim3A_821 : i32 to vector<16xi32>
      %get3A_823 = arith.constant 0 : index
      %get3A_824 = tpu.vector_load %arg5[%get3A_823] {strides = array<i32>} : memref<64xi32, #tpu.memory_space<vmem>>, vector<16xi32>,
      %gather3A_825 = tpu.vector_load_idx %arg7[%broadcast_in_dim3A_822, %get3A_824] : memref<8x4096xf32, #tpu.memory_space<vmem>>[vector<16xi32>, vector<16xi32>], vector<16xf32>,
      %mul3A_826 = arith.constant 8 : i32
      %mul3A_827 = arith.muli %add3A_485, %mul3A_826 : i32
      %add3A_828 = arith.constant 6 : i32
      %add3A_829 = arith.addi %mul3A_827, %add3A_828 : i32
      %mul3A_830 = arith.constant 64 : i32
      %mul3A_831 = arith.muli %add3A_829, %mul3A_830 : i32
      %add3A_832 = arith.constant 0 : i32
      %add3A_833 = arith.addi %mul3A_831, %add3A_832 : i32
      %swap3A_834 = arith.index_cast %add3A_833 : i32 to index
      %swap3A_835 = tpu.vector_load %arg8[%swap3A_834] {strides = array<i32>} : memref<13312xf32, #tpu.memory_space<vmem>>, vector<16xf32>,
      tpu.vector_store %arg8[%swap3A_834], %gather3A_825 {strides = array<i32>} : memref<13312xf32, #tpu.memory_space<vmem>>, vector<16xf32>,
      %get3A_836 = arith.constant 16 : index
      %get3A_837 = tpu.vector_load %arg5[%get3A_836] {strides = array<i32>} : memref<64xi32, #tpu.memory_space<vmem>>, vector<16xi32>,
      %gather3A_838 = tpu.vector_load_idx %arg7[%broadcast_in_dim3A_822, %get3A_837] : memref<8x4096xf32, #tpu.memory_space<vmem>>[vector<16xi32>, vector<16xi32>], vector<16xf32>,
      %mul3A_839 = arith.constant 8 : i32
      %mul3A_840 = arith.muli %add3A_485, %mul3A_839 : i32
      %add3A_841 = arith.constant 6 : i32
      %add3A_842 = arith.addi %mul3A_840, %add3A_841 : i32
      %mul3A_843 = arith.constant 64 : i32
      %mul3A_844 = arith.muli %add3A_842, %mul3A_843 : i32
      %add3A_845 = arith.constant 16 : i32
      %add3A_846 = arith.addi %mul3A_844, %add3A_845 : i32
      %swap3A_847 = arith.index_cast %add3A_846 : i32 to index
      %swap3A_848 = tpu.vector_load %arg8[%swap3A_847] {strides = array<i32>} : memref<13312xf32, #tpu.memory_space<vmem>>, vector<16xf32>,
      tpu.vector_store %arg8[%swap3A_847], %gather3A_838 {strides = array<i32>} : memref<13312xf32, #tpu.memory_space<vmem>>, vector<16xf32>,
      %get3A_849 = arith.constant 32 : index
      %get3A_850 = tpu.vector_load %arg5[%get3A_849] {strides = array<i32>} : memref<64xi32, #tpu.memory_space<vmem>>, vector<16xi32>,
      %gather3A_851 = tpu.vector_load_idx %arg7[%broadcast_in_dim3A_822, %get3A_850] : memref<8x4096xf32, #tpu.memory_space<vmem>>[vector<16xi32>, vector<16xi32>], vector<16xf32>,
      %mul3A_852 = arith.constant 8 : i32
      %mul3A_853 = arith.muli %add3A_485, %mul3A_852 : i32
      %add3A_854 = arith.constant 6 : i32
      %add3A_855 = arith.addi %mul3A_853, %add3A_854 : i32
      %mul3A_856 = arith.constant 64 : i32
      %mul3A_857 = arith.muli %add3A_855, %mul3A_856 : i32
      %add3A_858 = arith.constant 32 : i32
      %add3A_859 = arith.addi %mul3A_857, %add3A_858 : i32
      %swap3A_860 = arith.index_cast %add3A_859 : i32 to index
      %swap3A_861 = tpu.vector_load %arg8[%swap3A_860] {strides = array<i32>} : memref<13312xf32, #tpu.memory_space<vmem>>, vector<16xf32>,
      tpu.vector_store %arg8[%swap3A_860], %gather3A_851 {strides = array<i32>} : memref<13312xf32, #tpu.memory_space<vmem>>, vector<16xf32>,
      %get3A_862 = arith.constant 48 : index
      %get3A_863 = tpu.vector_load %arg5[%get3A_862] {strides = array<i32>} : memref<64xi32, #tpu.memory_space<vmem>>, vector<16xi32>,
      %gather3A_864 = tpu.vector_load_idx %arg7[%broadcast_in_dim3A_822, %get3A_863] : memref<8x4096xf32, #tpu.memory_space<vmem>>[vector<16xi32>, vector<16xi32>], vector<16xf32>,
      %mul3A_865 = arith.constant 8 : i32
      %mul3A_866 = arith.muli %add3A_485, %mul3A_865 : i32
      %add3A_867 = arith.constant 6 : i32
      %add3A_868 = arith.addi %mul3A_866, %add3A_867 : i32
      %mul3A_869 = arith.constant 64 : i32
      %mul3A_870 = arith.muli %add3A_868, %mul3A_869 : i32
      %add3A_871 = arith.constant 48 : i32
      %add3A_872 = arith.addi %mul3A_870, %add3A_871 : i32
      %swap3A_873 = arith.index_cast %add3A_872 : i32 to index
      %swap3A_874 = tpu.vector_load %arg8[%swap3A_873] {strides = array<i32>} : memref<13312xf32, #tpu.memory_space<vmem>>, vector<16xf32>,
      tpu.vector_store %arg8[%swap3A_873], %gather3A_864 {strides = array<i32>} : memref<13312xf32, #tpu.memory_space<vmem>>, vector<16xf32>,
      %broadcast_in_dim3A_875 = arith.constant 7 : i32
      %broadcast_in_dim3A_876 = vector.broadcast %broadcast_in_dim3A_875 : i32 to vector<16xi32>
      %get3A_877 = arith.constant 0 : index
      %get3A_878 = tpu.vector_load %arg5[%get3A_877] {strides = array<i32>} : memref<64xi32, #tpu.memory_space<vmem>>, vector<16xi32>,
      %gather3A_879 = tpu.vector_load_idx %arg7[%broadcast_in_dim3A_876, %get3A_878] : memref<8x4096xf32, #tpu.memory_space<vmem>>[vector<16xi32>, vector<16xi32>], vector<16xf32>,
      %mul3A_880 = arith.constant 8 : i32
      %mul3A_881 = arith.muli %add3A_485, %mul3A_880 : i32
      %add3A_882 = arith.constant 7 : i32
      %add3A_883 = arith.addi %mul3A_881, %add3A_882 : i32
      %mul3A_884 = arith.constant 64 : i32
      %mul3A_885 = arith.muli %add3A_883, %mul3A_884 : i32
      %add3A_886 = arith.constant 0 : i32
      %add3A_887 = arith.addi %mul3A_885, %add3A_886 : i32
      %swap3A_888 = arith.index_cast %add3A_887 : i32 to index
      %swap3A_889 = tpu.vector_load %arg8[%swap3A_888] {strides = array<i32>} : memref<13312xf32, #tpu.memory_space<vmem>>, vector<16xf32>,
      tpu.vector_store %arg8[%swap3A_888], %gather3A_879 {strides = array<i32>} : memref<13312xf32, #tpu.memory_space<vmem>>, vector<16xf32>,
      %get3A_890 = arith.constant 16 : index
      %get3A_891 = tpu.vector_load %arg5[%get3A_890] {strides = array<i32>} : memref<64xi32, #tpu.memory_space<vmem>>, vector<16xi32>,
      %gather3A_892 = tpu.vector_load_idx %arg7[%broadcast_in_dim3A_876, %get3A_891] : memref<8x4096xf32, #tpu.memory_space<vmem>>[vector<16xi32>, vector<16xi32>], vector<16xf32>,
      %mul3A_893 = arith.constant 8 : i32
      %mul3A_894 = arith.muli %add3A_485, %mul3A_893 : i32
      %add3A_895 = arith.constant 7 : i32
      %add3A_896 = arith.addi %mul3A_894, %add3A_895 : i32
      %mul3A_897 = arith.constant 64 : i32
      %mul3A_898 = arith.muli %add3A_896, %mul3A_897 : i32
      %add3A_899 = arith.constant 16 : i32
      %add3A_900 = arith.addi %mul3A_898, %add3A_899 : i32
      %swap3A_901 = arith.index_cast %add3A_900 : i32 to index
      %swap3A_902 = tpu.vector_load %arg8[%swap3A_901] {strides = array<i32>} : memref<13312xf32, #tpu.memory_space<vmem>>, vector<16xf32>,
      tpu.vector_store %arg8[%swap3A_901], %gather3A_892 {strides = array<i32>} : memref<13312xf32, #tpu.memory_space<vmem>>, vector<16xf32>,
      %get3A_903 = arith.constant 32 : index
      %get3A_904 = tpu.vector_load %arg5[%get3A_903] {strides = array<i32>} : memref<64xi32, #tpu.memory_space<vmem>>, vector<16xi32>,
      %gather3A_905 = tpu.vector_load_idx %arg7[%broadcast_in_dim3A_876, %get3A_904] : memref<8x4096xf32, #tpu.memory_space<vmem>>[vector<16xi32>, vector<16xi32>], vector<16xf32>,
      %mul3A_906 = arith.constant 8 : i32
      %mul3A_907 = arith.muli %add3A_485, %mul3A_906 : i32
      %add3A_908 = arith.constant 7 : i32
      %add3A_909 = arith.addi %mul3A_907, %add3A_908 : i32
      %mul3A_910 = arith.constant 64 : i32
      %mul3A_911 = arith.muli %add3A_909, %mul3A_910 : i32
      %add3A_912 = arith.constant 32 : i32
      %add3A_913 = arith.addi %mul3A_911, %add3A_912 : i32
      %swap3A_914 = arith.index_cast %add3A_913 : i32 to index
      %swap3A_915 = tpu.vector_load %arg8[%swap3A_914] {strides = array<i32>} : memref<13312xf32, #tpu.memory_space<vmem>>, vector<16xf32>,
      tpu.vector_store %arg8[%swap3A_914], %gather3A_905 {strides = array<i32>} : memref<13312xf32, #tpu.memory_space<vmem>>, vector<16xf32>,
      %get3A_916 = arith.constant 48 : index
      %get3A_917 = tpu.vector_load %arg5[%get3A_916] {strides = array<i32>} : memref<64xi32, #tpu.memory_space<vmem>>, vector<16xi32>,
      %gather3A_918 = tpu.vector_load_idx %arg7[%broadcast_in_dim3A_876, %get3A_917] : memref<8x4096xf32, #tpu.memory_space<vmem>>[vector<16xi32>, vector<16xi32>], vector<16xf32>,
      %mul3A_919 = arith.constant 8 : i32
      %mul3A_920 = arith.muli %add3A_485, %mul3A_919 : i32
      %add3A_921 = arith.constant 7 : i32
      %add3A_922 = arith.addi %mul3A_920, %add3A_921 : i32
      %mul3A_923 = arith.constant 64 : i32
      %mul3A_924 = arith.muli %add3A_922, %mul3A_923 : i32
      %add3A_925 = arith.constant 48 : i32
      %add3A_926 = arith.addi %mul3A_924, %add3A_925 : i32
      %swap3A_927 = arith.index_cast %add3A_926 : i32 to index
      %swap3A_928 = tpu.vector_load %arg8[%swap3A_927] {strides = array<i32>} : memref<13312xf32, #tpu.memory_space<vmem>>, vector<16xf32>,
      tpu.vector_store %arg8[%swap3A_927], %gather3A_918 {strides = array<i32>} : memref<13312xf32, #tpu.memory_space<vmem>>, vector<16xf32>,
      %add3A_929 = arith.constant 2 : i32
      %add3A_930 = arith.addi %add3A_485, %add3A_929 : i32
      %lt3A_931 = arith.constant 26 : i32
      %lt3A_932 = arith.cmpi slt, %add3A_930, %lt3A_931 : i32
      %convert_element_type3A_933 = arith.extui %lt3A_932 : i1 to i32
      %cond3A_934 = arith.constant 0 : i32
      %cond3A_935 = arith.cmpi ne, %convert_element_type3A_933, %cond3A_934 : i32
      scf.if %cond3A_935 {
        %add3A_936 = arith.addi %add3A_4, %add3A_485 : i32
        %add3A_937 = arith.constant 2 : i32
        %add3A_938 = arith.addi %add3A_936, %add3A_937 : i32
        %dma_start3A_939 = tpu.memref_reshape %arg2 : memref<4x4096x4096xf32, #tpu.memory_space<hbm>> -> memref<2048x8x4096xf32, #tpu.memory_space<hbm>>
        %dma_start3A_940 = arith.constant 0 : i32
        %dma_start3A_941 = arith.constant 0 : i32
        %dma_start3A_942 = tpu.memref_slice %dma_start3A_939[%add3A_938, %dma_start3A_940, %dma_start3A_941] : memref<2048x8x4096xf32, #tpu.memory_space<hbm>> -> memref<1x8x4096xf32, #tpu.memory_space<hbm>>
        %dma_start3A_943 = tpu.memref_squeeze %dma_start3A_942 : memref<1x8x4096xf32, #tpu.memory_space<hbm>> -> memref<8x4096xf32, #tpu.memory_space<hbm>>
        %dma_start3A_944 = tpu.memref_reshape %arg2 : memref<4x4096x4096xf32, #tpu.memory_space<hbm>> -> memref<2048x8x4096xf32, #tpu.memory_space<hbm>>
        %dma_start3A_945 = arith.constant 0 : i32
        %dma_start3A_946 = arith.constant 0 : i32
        %dma_start3A_947 = tpu.memref_slice %dma_start3A_944[%add3A_938, %dma_start3A_945, %dma_start3A_946] : memref<2048x8x4096xf32, #tpu.memory_space<hbm>> -> memref<1x8x4096xf32, #tpu.memory_space<hbm>>
        %dma_start3A_948 = tpu.memref_squeeze %dma_start3A_947 : memref<1x8x4096xf32, #tpu.memory_space<hbm>> -> memref<8x4096xf32, #tpu.memory_space<hbm>>
        tpu.enqueue_dma source(%dma_start3A_948 : memref<8x4096xf32, #tpu.memory_space<hbm>>) target(%arg7 : memref<8x4096xf32, #tpu.memory_space<vmem>>) target_semaphore(%arg10 : memref<!tpu.dma_semaphore, #tpu.memory_space<semaphore_mem>>)
      } else {
      }
    }
    %scan3A_32 = arith.constant 13 : i32
    %mul3A_33 = arith.constant 13312 : i32
    %mul3A_34 = arith.muli %add3A, %mul3A_33 : i32
    "tpu.region"() ({
      %run_scoped3A = tpu.sem_alloc : memref<!tpu.dma_semaphore, #tpu.memory_space<semaphore_mem>>
      %dma_start3A_35 = tpu.memref_slice %arg4[%mul3A_34] : memref<425984xf32, #tpu.memory_space<hbm>> -> memref<13312xf32, #tpu.memory_space<hbm>>
      %dma_start3A_36 = tpu.memref_slice %arg4[%mul3A_34] : memref<425984xf32, #tpu.memory_space<hbm>> -> memref<13312xf32, #tpu.memory_space<hbm>>
      tpu.enqueue_dma source(%arg8 : memref<13312xf32, #tpu.memory_space<vmem>>) target(%dma_start3A_36 : memref<13312xf32, #tpu.memory_space<hbm>>) target_semaphore(%run_scoped3A : memref<!tpu.dma_semaphore, #tpu.memory_space<semaphore_mem>>)
      %dma_wait3A = tpu.memref_slice %arg4[%mul3A_34] : memref<425984xf32, #tpu.memory_space<hbm>> -> memref<13312xf32, #tpu.memory_space<hbm>>
      %dma_wait3A_37 = tpu.memref_slice %arg4[%mul3A_34] : memref<425984xf32, #tpu.memory_space<hbm>> -> memref<13312xf32, #tpu.memory_space<hbm>>
      tpu.wait_dma2 semaphore(%run_scoped3A : memref<!tpu.dma_semaphore, #tpu.memory_space<semaphore_mem>>) src(%arg8 : memref<13312xf32, #tpu.memory_space<vmem>>) dst(%dma_wait3A_37 : memref<13312xf32, #tpu.memory_space<hbm>>)
      tpu.yield
    }) : () -> ()
    return
  }
}

module attributes {stable_mosaic.version = 14 : i64} {
  func.func @_tc_body(%arg0: i32, %arg1: memref<512x4096xf32, #tpu.memory_space<vmem>>, %arg2: memref<4096x64xf32, #tpu.memory_space<vmem>>, %arg3: memref<512x64xf32, #tpu.memory_space<vmem>>) attributes {dimension_semantics = [#tpu.dimension_semantics<arbitrary>], iteration_bounds = array<i64: 19>, scalar_prefetch = 0 : i64, scratch_operands = 0 : i64, tpu.core_type = #tpu.core_type<tc>, window_params = [{transform_indices = @transform_0, window_bounds = array<i64: 512, 4096>}, {pipeline_mode = #tpu.pipeline_mode<synchronous>, transform_indices = @transform_1, window_bounds = array<i64: 4096, 64>}, {transform_indices = @transform_2, window_bounds = array<i64: 512, 64>}]} {
    %get3A = arith.constant 0 : index
    %get3A_0 = arith.constant 0 : index
    %get3A_1 = vector.load %arg1[%get3A, %get3A_0] : memref<512x4096xf32, #tpu.memory_space<vmem>>, vector<512x4096xf32>
    %get3A_2 = arith.constant 0 : index
    %get3A_3 = arith.constant 0 : index
    %get3A_4 = vector.load %arg2[%get3A_2, %get3A_3] : memref<4096x64xf32, #tpu.memory_space<vmem>>, vector<4096x64xf32>
    %dot_general3A = arith.constant dense<0.000000e+00> : vector<512x64xf32>
    %dot_general3A_5 = tpu.matmul %get3A_1, %get3A_4, %dot_general3A {dimension_numbers = #tpu.dot_dimension_numbers<[1], [0], [0], [1], [0, 0, 1, 1], [], []>, transpose_lhs_hint = false} : vector<512x4096xf32>, vector<4096x64xf32>, vector<512x64xf32> -> vector<512x64xf32>
    %swap3A = arith.constant 0 : index
    %swap3A_6 = arith.constant 0 : index
    %swap3A_7 = vector.load %arg3[%swap3A, %swap3A_6] : memref<512x64xf32, #tpu.memory_space<vmem>>, vector<512x64xf32>
    tpu.vector_store %arg3[%swap3A, %swap3A_6], %dot_general3A_5 {strides = array<i32>} : memref<512x64xf32, #tpu.memory_space<vmem>>, vector<512x64xf32>,
    return
  }
  func.func @transform_0(%arg0: i32) -> (i32, i32) {
    %c0_i32 = arith.constant 0 : i32
    %c0_i32_0 = arith.constant 0 : i32
    return %arg0, %c0_i32 : i32, i32
  }
  func.func @transform_1(%arg0: i32) -> (i32, i32) {
    %c0_i32 = arith.constant 0 : i32
    %c0_i32_0 = arith.constant 0 : i32
    %c0_i32_1 = arith.constant 0 : i32
    return %c0_i32, %c0_i32_0 : i32, i32
  }
  func.func @transform_2(%arg0: i32) -> (i32, i32) {
    %c0_i32 = arith.constant 0 : i32
    %c0_i32_0 = arith.constant 0 : i32
    return %arg0, %c0_i32 : i32, i32
  }
}

</mosaic_0001>

<sc_bundles>
// kernel: kernel.4.cloned.1.call-start
scs
__scs_entry_jumppad:
0x0: {  	(pc) =	sbr.rel $0x88, $3  }
0x1: {  	(tag) =	ssettag $0x0;
	lr =	simm.s32 $0x1  }
0x2: {  	[smem:$0x3F9F] =	sst lr;
	_ =	strace $0xD0000000  }
0x3: {  	_ = 	snop  }
0x4: {  	_ = 	snop  }
0x5: {  	_ = 	snop  }
0x6: {  	_ = 	snop  }
0x7: {  	_ = 	snop  }
__scs_overlays_trampoline_lowered:
0x8: {  	[smem:$0x3FAE] =	sst s0  }
0x9: {  	[smem:$0x3FAF] =	sst s1  }
0xa: {  	[smem:$0x3FB0] =	sst s2  }
0xb: {  	[smem:$0x3FB1] =	sst s3  }
0xc: {  	[smem:$0x3FB2] =	sst s4  }
0xd: {  	[smem:$0x3FB3] =	sst s5  }
0xe: {  	[smem:$0x3FB4] =	sst s6  }
0xf: {  	[smem:$0x3FB5] =	sst s7  }
0x10: {  	[smem:$0x3FB6] =	sst s8  }
0x11: {  	[smem:$0x3FB7] =	sst s9;
	s0 =	simm.s32 @!p0 $0x0  }
0x12: {  	s1 =	sld [smem:$0x3F9D];
	s0 =	simm.s32 @p0 $0x1  }
0x13: {  	[smem:$0x3FB8] =	sst s0;
	s0 =	simm.s32 @!p1 $0x0  }
0x14: {  	s2 =	sld [smem:$0x3F9C];
	s0 =	simm.s32 @p1 $0x1  }
0x15: {  	[smem:$0x3FB9] =	sst s0;
	s0 =	simm.s32 @!p2 $0x0  }
0x16: {  	s3 =	sld [smem:$0x3FDB];
	s0 =	simm.s32 @p2 $0x1  }
0x17: {  	s4 =	simm.s32 $0x1BF5;
	[smem:$0x3FBB] =	sst s0  }
0x18: {  	s0 =	sld [smem:$0x3F9E];
	_ =	swait.ge [sflag:s4], $0x0  }
0x19: {  	s7 =	sld [smem:$0x3F9F]  }
0x1a: {  	s8 =	sadd.s32 $0xFFFFE003, lr  }
0x1b: {  	s9 =	sadd.s32 $0xFFFFFEF7, lr;
	s5 =	simm.s32 $0xFFFFFFFF;
	p2 =	slt.u32 s8, $0xFFFFF086  }
0x1c: {  	p1 =	slt.u32 s9, $0xF7A;
	s5 =	simm.s32 @!p2 $0x0  }
0x1d: {  	s5 =	simm.s32 @p1 $0x1;
	p0 =	seq.s32 s7, s2  }
0x1e: {  	s7 =	smul.u32 @!p0 $0xF7A, s2;
	p2 =	seq.s32 @!p0 s5, $0x0  }
0x1f: {  	s9 =	smul.u32 $0xF7A, s1;
	s8 =	simm.s32 @!p0 $0x1BF5;
	p2 =	por !p2, p0  }
0x20: {  	[sflag:s8] =	ssyncset.s32 @!p0 $0xFFFFF086;
	s6 =	sadd.s32 @!p0 s3, s7;
	s7 =	simm.s32 @!p0 $0x108  }
0x21: {  	s3 =	sadd.s32 s3, s9;
	s6 =	sadd.s32 @!p0 $0x88, s6;
	s7 =	simm.s32 @p2 $0x1082  }
0x22: {  	[simem:s7], [sflag:s8] =	dma.local @!p0 [hbm:s6], $0xF7A  }
0x23: {  	s9 =	sor.u32 $0xD0000000, s2;
	s6 =	simm.s32 $0x108;
	_ =	swait.ge @!p0 [sflag:s8], $0x0  }
0x24: {  	s3 =	sadd.s32 $0x88, s3;
	s6 =	simm.s32 @!p1 $0x1082;
	[sflag:s4] =	ssyncset.s32 $0xFFFFF086  }
0x25: {  	[simem:s6], [sflag:s4] =	dma.local [hbm:s3], $0xF7A  }
0x26: {  	[smem:$0x3F9F] =	sst s1;
	(tag) =	ssettag s2;
	_ =	strace s9  }
0x27: {  	s1 =	sld [smem:$0x3FAF]  }
0x28: {  	s2 =	sld [smem:$0x3FB0]  }
0x29: {  	s4 =	sld [smem:$0x3FB2]  }
0x2a: {  	p0 =	seq.s32 s5, $0x0;
	s5 =	sld [smem:$0x3FB3]  }
0x2b: {  	s6 =	sld [smem:$0x3FB4]  }
0x2c: {  	s7 =	sld [smem:$0x3FB5]  }
0x2d: {  	s3 =	simm.s32 $0x108;
	s8 =	sld [smem:$0x3FB6]  }
0x2e: {  	s3 =	simm.s32 @!p0 $0x1082;
	s9 =	sld [smem:$0x3FB7]  }
0x2f: {  	lr =	sadd.s32 s0, s3;
	s0 =	sld [smem:$0x3FAE]  }
0x30: {  	s3 =	sld [smem:$0x3FB1]  }
0x31: {  	[smem:$0x3FBA] =	sst s10  }
0x32: {  	s10 =	sld [smem:$0x3FB8];
	_ =	sdelay $0x3  }
0x33: {  	p0 =	seq.s32 s10, $0x1;
	s10 =	sld [smem:$0x3FBA];
	_ =	sdelay $0x3  }
0x34: {  	[smem:$0x3FBA] =	sst s10  }
0x35: {  	s10 =	sld [smem:$0x3FB9];
	_ =	sdelay $0x3  }
0x36: {  	p1 =	seq.s32 s10, $0x1;
	s10 =	sld [smem:$0x3FBA];
	_ =	sdelay $0x3  }
0x37: {  	[smem:$0x3FBA] =	sst s10  }
0x38: {  	s10 =	sld [smem:$0x3FBB]  }
0x39: {  	_ = 	snop;
	(pc) =	sbr.ind lr, $3  }
0x3a: {  	_ = 	snop  }
0x3b: {  	_ = 	snop  }
0x3c: {  	p2 =	seq.s32 s10, $0x1;
	s10 =	sld [smem:$0x3FBA]  }
0x3d: {  	_ =	shalt  }
0x3e: {  	_ =	shalt  }
0x3f: {  	_ =	shalt  }
0x40: {  	_ =	shalt  }
0x41: {  	_ =	shalt  }
0x42: {  	_ =	shalt  }
0x43: {  	_ =	shalt  }
0x44: {  	_ =	shalt  }
0x45: {  	_ =	shalt  }
0x46: {  	_ =	shalt  }
0x47: {  	_ =	shalt  }
0x48: {  	_ =	shalt  }
0x49: {  	_ =	shalt  }
0x4a: {  	_ =	shalt  }
0x4b: {  	_ =	shalt  }
0x4c: {  	_ =	shalt  }
0x4d: {  	_ =	shalt  }
0x4e: {  	_ =	shalt  }
0x4f: {  	_ =	shalt  }
0x50: {  	_ =	shalt  }
0x51: {  	_ =	shalt  }
0x52: {  	_ =	shalt  }
0x53: {  	_ =	shalt  }
0x54: {  	_ =	shalt  }
0x55: {  	_ =	shalt  }
0x56: {  	_ =	shalt  }
0x57: {  	_ =	shalt  }
0x58: {  	_ =	shalt  }
0x59: {  	_ =	shalt  }
0x5a: {  	_ =	shalt  }
0x5b: {  	_ =	shalt  }
0x5c: {  	_ =	shalt  }
0x5d: {  	_ =	shalt  }
0x5e: {  	_ =	shalt  }
0x5f: {  	_ =	shalt  }
0x60: {  	_ =	shalt  }
0x61: {  	_ =	shalt  }
0x62: {  	_ =	shalt  }
0x63: {  	_ =	shalt  }
0x64: {  	_ =	shalt  }
0x65: {  	_ =	shalt  }
0x66: {  	_ =	shalt  }
0x67: {  	_ =	shalt  }
0x68: {  	_ =	shalt  }
0x69: {  	_ =	shalt  }
0x6a: {  	_ =	shalt  }
0x6b: {  	_ =	shalt  }
0x6c: {  	_ =	shalt  }
0x6d: {  	_ =	shalt  }
0x6e: {  	_ =	shalt  }
0x6f: {  	_ =	shalt  }
0x70: {  	_ =	shalt  }
0x71: {  	_ =	shalt  }
0x72: {  	_ =	shalt  }
0x73: {  	_ =	shalt  }
0x74: {  	_ =	shalt  }
0x75: {  	_ =	shalt  }
0x76: {  	_ =	shalt  }
0x77: {  	_ =	shalt  }
0x78: {  	_ =	shalt  }
0x79: {  	_ =	shalt  }
0x7a: {  	_ =	shalt  }
0x7b: {  	_ =	shalt  }
0x7c: {  	_ =	shalt  }
0x7d: {  	_ =	shalt  }
0x7e: {  	_ =	shalt  }
0x7f: {  	_ =	shalt  }
0x80: {  	_ =	shalt  }
0x81: {  	_ =	shalt  }
0x82: {  	_ =	shalt  }
0x83: {  	_ =	shalt  }
0x84: {  	_ =	shalt  }
0x85: {  	_ =	shalt  }
0x86: {  	_ =	shalt  }
0x87: {  	_ =	shalt  }
.Lfunc_end0:
.L_simem_size_0:
called_computation_lowered:
.L_overlay_start_0:
0x88: {  	s2 =	sld [smem:$0x3FD9]  }
0x89: {  	s3 =	sld [smem:$0x3FFE];
	_ =	sdelay $0x1  }
0x8a: {  	s1 =	srdreg.scid  }
0x8b: {  	s0 =	sand.u32 $0x1, s1  }
0x8c: {  	s18 =	sshll.u32 s0, $0xA;
	s2 =	sadd.s32 s3, s2  }
0x8d: {  	s2 =	sadd.s32 s2, s18  }
0x8e: {  	[smem:$0x3FC6] =	sst s2  }
0x8f: {  	_ = 	snop  }
0x90: {  	s2 =	sld [smem:$0x3FC9]  }
0x91: {  	s19 =	sld [smem:$0x3FC8]  }
0x92: {  	s4 =	sld [smem:$0x3FD0];
	(tm) =	ssettm $0x1  }
0x93: {  	s5 =	sld [smem:$0x3FFB];
	_ =	sdelay $0x3  }
0x94: {  	_ =	strace s5  }
0x95: {  	s5 =	sld [smem:$0x3FFC];
	_ =	sdelay $0x3  }
0x96: {  	_ =	strace s5  }
0x97: {  	s5 =	sld [smem:$0x3FFD];
	_ =	sdelay $0x3  }
0x98: {  	_ =	strace s5  }
0x99: {  	_ =	strace $0x8FFFFFFF  }
0x9a: {  	s20 =	sld [smem:$0x3FDB];
	_ =	sdelay $0x1  }
0x9b: {  	s6 =	simm.s32 $_scs_section_size  }
0x9c: {  	s7 =	simm.s32 $_size__tile_overlayer_lowered;
	s8 =	simm.s32 $_tile_overlayer_lowered  }
0x9d: {  	s23 =	simm.s32 $0x1BFF;
	s22 =	sshll.u32 s8, $0x1;
	s5 =	sadd.s32 s6, s20  }
0x9e: {  	s9 =	simm.s32 $0x0;
	s21 =	sshll.u32 s7, $0x1;
	s7 =	sadd.s32 s22, s5  }
0x9f: {  	[timem:s9], [sflag:s23] =	dma.local [hbm:s7], s21  }
0xa0: {  	_ =	swait.ge [sflag:s23], s21  }
0xa1: {  	s6 =	ssub.s32 $0x0, s21;
	[sflag:s23] =	ssyncset.done $0x0  }
0xa2: {  	[sflag:s23] =	ssyncadd.s32 s6;
	_ =	sdelay $0x1  }
0xa3: {  	s24 =	simm.s32 $0x1B8B  }
0xa4: {  	_ =	swait.ge [sflag:s24], $0x1  }
0xa5: {  	[sflag:s24] =	ssyncset.done $0x0  }
0xa6: {  	s25 =	simm.s32 $0x1B8E;
	[sflag:s24] =	ssyncadd.s32 $0xFFFFFFFF  }
0xa7: {  	s26 =	simm.s32 $execute0_lowered;
	[smem:$0x3FD2] =	sst s25  }
0xa8: {  	s6 =	sshll.u32 s26, $0x1;
	_ =	strace $0x80000046;
	[dreg:$0x1] =	wrdreg $0xFFFFFFFF  }
0xa9: {  	s28 =	simm.s32 $_size_execute0_lowered;
	s5 =	sadd.s32 s5, s6;
	[dreg:$0x0] =	wrdreg $0x0  }
0xaa: {  	s6 =	sshll.u32 s28, $0x1;
	[dreg:$0x2] =	wrdreg s5  }
0xab: {  	[dreg:$0x3] =	wrdreg s6  }
0xac: {  	[dreg:$0x4] =	wrdreg $0xC0  }
0xad: {  	_ =	task [dreg:s9], $0x5FFFF  }
0xae: {  	[dreg:$0x1] =	wrdreg $0xFFFFFFFF  }
0xaf: {  	[dreg:$0x0] =	wrdreg $0x60  }
0xb0: {  	[dreg:$0x2] =	wrdreg s2  }
0xb1: {  	[dreg:$0x3] =	wrdreg s19  }
0xb2: {  	[dreg:$0x4] =	wrdreg s4  }
0xb3: {  	[dreg:$0x5] =	wrdreg $0x9  }
0xb4: {  	_ =	task.clear_ibuf [dreg:s9], $0x6FFFF;
	_ =	strace $0x90000046  }
0xb5: {  	s29 =	simm.s32 $0x9;
	_ =	strace $0x80000048  }
0xb6: {  	_ =	swait.ge [sflag:s29], $0x1  }
0xb7: {  	[sflag:s29] =	ssyncadd.s32 $0xFFFFFFFF  }
0xb8: {  	_ =	strace $0x90000048  }
0xb9: {  	_ =	sfence  }
0xba: {  	s30 =	sld [smem:$0x0];
	_ =	sdelay $0x2  }
0xbb: {  	s31 =	sshll.u32 s1, $0xD;
	s1 =	sshrl.u32 s1, $0x2  }
0xbc: {  	s3 =	sand.u32 $0x4000, s31;
	s1 =	sadd.s32 s1, s30  }
0xbd: {  	s0 =	sor.u32 s3, s0;
	s1 =	sshll.u32 s1, $0x11  }
0xbe: {  	s0 =	sor.u32 s1, s0  }
0xbf: {  	s0 =	sadd.s32 $0x8F2B, s0  }
0xc0: {  	[sflag:s0] =	ssyncadd.remote.s32 $0x1  }
0xc1: {  	_ =	sfence.sel $0xFFFF  }
0xc2: {  	[dreg:$0x0] =	wrdreg $0xFFFFFFFF;
	(pc) =	sbr.abs _section_cstart, $3  }
0xc3: {  	[dreg:$0x1] =	wrdreg $0xFFFFFFFF  }
0xc4: {  	_ =	task.clear_ibuf [dreg:s9], $0x2FFFF;
	_ =	strace $0x9FFFFFFF  }
0xc5: {  	(tm) =	ssettm $0x7FFFFFFF  }
tec
execute0_lowered:
.L_overlay_start_1:
0x0: {  	(tag) =	ssettag $0x1  }
0x1: {  	s7 =	rddreg [dreg:$0x0]  }
0x2: {  	s2 =	rddreg [dreg:$0x1]  }
0x3: {  	s1 =	srdreg.scid;
	s0 =	stileid.u32  }
0x4: {  	s6 =	rddreg [dreg:$0x2];
	s13 =	simm.s32 $0x2;
	s14 =	simm.s32 $0x10080  }
0x5: {  	s5 =	sand.u32 $0x1, s1;
	s3 =	sshll.u32 s0, $0x1;
	s30 =	smul.u32 $0x34000, s0  }
0x6: {  	s15 =	simm.s32 $0x0;
	s4 =	sor.u32 s5, s3;
	s12 =	smul.u32 $0x1A000, s5  }
0x7: {  	s1 =	rddreg [dreg:$0x3];
	s3 =	simm.s32 $0x0;
	s9 =	smul.u32 $0x1A000, s4  }
0x8: {  	s8 =	ssub.s32 $0x2, s5;
	[smem:$0x7FF] =	sst s3;
	s11 =	smul.u32 $0xD0000, s4  }
0x9: {  	s10 =	sshrl.u32 s8, $0x1;
	s26 =	smul.u32 $0x680, s4;
	s31 =	sadd.s32 s30, s7  }
.Ltmp0:
0xa: {  	_ =	strace $0x80000047;
	s8 =	ssub.s32 s8, s10;
	(pc) =	sbr.rel .LBB2_1-.Ltmp0, $4  }
0xb: {  	s10 =	simm.s32 $0x80;
	s28 =	sadd.s32 s7, s9;
	s29 =	sshrl.u32 s11, $0x3  }
0xc: {  	s6 =	sadd.s32 s6, s26;
	s11 =	simm.s32 $0x8080;
	s4 =	sadd.s32 $0x4C0000, s28  }
0xd: {  	s9 =	sadd.s32 s7, s29;
	s7 =	smax.u32 s8, $0x1;
	s8 =	sadd.s32 s12, s31  }
0xe: {  	s12 =	simm.s32 $0x1;
	s5 =	sadd.s32 $0x4C1000, s9;
	s9 =	simm.s32 $0x3  }
.LBB2_4:
0xf: {  	s15 =	sadd.s32 $0x1, s15  }
0x10: {  	p0 =	sne.s32 s15, s7  }
.Ltmp1:
0x11: {  	_ = 	snop;
	(pc) =	sbr.rel @!p0 .LBB2_5-.Ltmp1, $4  }
0x12: {  	[hbm4b:s6+s3] =	stream.linear.scatter [tilespmem:s14], [sflag:$0x3], $0x3400, $0x38;
	[tilespmem:$0x13480] =	vst v63  }
0x13: {  	_ =	swait.ge [sflag:s9], $0x3400  }
0x14: {  	[sflag:s9] =	ssyncset.done $0x0  }
0x15: {  	[sflag:s9] =	ssyncadd.s32 $0xFFFFCC00  }
.LBB2_1:
0x16: {  	[tilespmem:s3], [sflag:$0x3] =	stream.linear.gather [hbm4b:s2+s3], $0x80, $0x38;
	[tilespmem:$0x13480] =	vst v63  }
0x17: {  	_ =	swait.ge [sflag:s9], $0x80  }
0x18: {  	[sflag:s9] =	ssyncset.done $0x0  }
0x19: {  	[sflag:s9] =	ssyncadd.s32 $0xFFFFFF80  }
0x1a: {  	[tilespmem:s10], [sflag:$0x1] =	stream.linear.gather [hbm4b:s4+s3], $0x8000, $0x38;
	[tilespmem:$0x13480] =	vst v63  }
0x1b: {  	s16 =	simm.s32 $0xFFFE8000;
	s17 =	simm.s32 $0x10280  }
0x1c: {  	[tilespmem:s11], [sflag:$0x2] =	stream.linear.gather [hbm4b:s5+s3], $0x8000, $0x38;
	[tilespmem:$0x13480] =	vst v63  }
.LBB2_2:
0x1d: {  	_ =	swait.ge [sflag:s12], $0x8000  }
0x1e: {  	[sflag:s12] =	ssyncset.done $0x0  }
0x1f: {  	[sflag:s12] =	ssyncadd.s32 $0xFFFF8000  }
0x20: {  	v0 =	vld [tilespmem:$0x0];
	_ =	sdelay $0x4  }
0x21: {  	v1 =	vshll.u32 v0, $0x3  }
0x22: {  	v0 =	vand.u32 $0x7F, v0;
	v1 =	vand.u32 $0xFFFFFC00, v1  }
0x23: {  	v0 =	vor.u32 v0, v1;
	_ =	sdelay $0x4  }
0x24: {  	v0 =	vld.idx.msk [tilespmem:v0+s10+$0x0], $0xffff;
	_ =	sdelay $0x4  }
0x25: {  	[tilespmem:s17+$0xFFFFFE00] =	vst v0  }
0x26: {  	v0 =	vld [tilespmem:$0x10];
	_ =	sdelay $0x4  }
0x27: {  	v60 =	vshll.u32 v0, $0x3  }
0x28: {  	v0 =	vand.u32 $0x7F, v0;
	v1 =	vand.u32 $0xFFFFFC00, v60  }
0x29: {  	v0 =	vor.u32 v0, v1;
	_ =	sdelay $0x4  }
0x2a: {  	v0 =	vld.idx.msk [tilespmem:v0+s10+$0x0], $0xffff;
	_ =	sdelay $0x4  }
0x2b: {  	[tilespmem:s17+$0xFFFFFE10] =	vst v0  }
0x2c: {  	v0 =	vld [tilespmem:$0x20];
	_ =	sdelay $0x4  }
0x2d: {  	v61 =	vshll.u32 v0, $0x3  }
0x2e: {  	v0 =	vand.u32 $0x7F, v0;
	v1 =	vand.u32 $0xFFFFFC00, v61  }
0x2f: {  	v0 =	vor.u32 v0, v1;
	_ =	sdelay $0x4  }
0x30: {  	v0 =	vld.idx.msk [tilespmem:v0+s10+$0x0], $0xffff;
	_ =	sdelay $0x4  }
0x31: {  	[tilespmem:s17+$0xFFFFFE20] =	vst v0  }
0x32: {  	v0 =	vld [tilespmem:$0x30];
	_ =	sdelay $0x4  }
0x33: {  	v62 =	vshll.u32 v0, $0x3  }
0x34: {  	v0 =	vand.u32 $0x7F, v0;
	v1 =	vand.u32 $0xFFFFFC00, v62  }
0x35: {  	v0 =	vor.u32 v0, v1;
	_ =	sdelay $0x4  }
0x36: {  	v0 =	vld.idx.msk [tilespmem:v0+s10+$0x0], $0xffff;
	_ =	sdelay $0x4  }
0x37: {  	[tilespmem:s17+$0xFFFFFE30] =	vst v0  }
0x38: {  	v0 =	vld [tilespmem:$0x0];
	_ =	sdelay $0x4  }
0x39: {  	v63 =	vshll.u32 v0, $0x3  }
0x3a: {  	v0 =	vand.u32 $0x7F, v0;
	v1 =	vand.u32 $0xFFFFFC00, v63  }
0x3b: {  	v0 =	vor.u32 v1, v0  }
0x3c: {  	v0 =	vor.u32 $0x80, v0;
	_ =	sdelay $0x4  }
0x3d: {  	v0 =	vld.idx.msk [tilespmem:v0+s10+$0x0], $0xffff;
	_ =	sdelay $0x4  }
0x3e: {  	[tilespmem:s17+$0xFFFFFE40] =	vst v0  }
0x3f: {  	v0 =	vld [tilespmem:$0x10];
	_ =	sdelay $0x4  }
0x40: {  	v4 =	vshll.u32 v0, $0x3  }
0x41: {  	v0 =	vand.u32 $0x7F, v0;
	v1 =	vand.u32 $0xFFFFFC00, v4  }
0x42: {  	v0 =	vor.u32 v1, v0  }
0x43: {  	v0 =	vor.u32 $0x80, v0;
	_ =	sdelay $0x4  }
0x44: {  	v0 =	vld.idx.msk [tilespmem:v0+s10+$0x0], $0xffff;
	_ =	sdelay $0x4  }
0x45: {  	[tilespmem:s17+$0xFFFFFE50] =	vst v0  }
0x46: {  	v0 =	vld [tilespmem:$0x20];
	_ =	sdelay $0x4  }
0x47: {  	v5 =	vshll.u32 v0, $0x3  }
0x48: {  	v0 =	vand.u32 $0x7F, v0;
	v1 =	vand.u32 $0xFFFFFC00, v5  }
0x49: {  	v0 =	vor.u32 v1, v0  }
0x4a: {  	v0 =	vor.u32 $0x80, v0;
	_ =	sdelay $0x4  }
0x4b: {  	v0 =	vld.idx.msk [tilespmem:v0+s10+$0x0], $0xffff;
	_ =	sdelay $0x4  }
0x4c: {  	[tilespmem:s17+$0xFFFFFE60] =	vst v0  }
0x4d: {  	v0 =	vld [tilespmem:$0x30];
	_ =	sdelay $0x4  }
0x4e: {  	v6 =	vshll.u32 v0, $0x3  }
0x4f: {  	v0 =	vand.u32 $0x7F, v0;
	v1 =	vand.u32 $0xFFFFFC00, v6  }
0x50: {  	v0 =	vor.u32 v1, v0  }
0x51: {  	v0 =	vor.u32 $0x80, v0;
	_ =	sdelay $0x4  }
0x52: {  	v0 =	vld.idx.msk [tilespmem:v0+s10+$0x0], $0xffff;
	_ =	sdelay $0x4  }
0x53: {  	[tilespmem:s17+$0xFFFFFE70] =	vst v0  }
0x54: {  	v0 =	vld [tilespmem:$0x0];
	_ =	sdelay $0x4  }
0x55: {  	v7 =	vshll.u32 v0, $0x3  }
0x56: {  	v0 =	vand.u32 $0x7F, v0;
	v1 =	vand.u32 $0xFFFFFC00, v7  }
0x57: {  	v0 =	vor.u32 v1, v0  }
0x58: {  	v0 =	vor.u32 $0x100, v0;
	_ =	sdelay $0x4  }
0x59: {  	v0 =	vld.idx.msk [tilespmem:v0+s10+$0x0], $0xffff;
	_ =	sdelay $0x4  }
0x5a: {  	[tilespmem:s17+$0xFFFFFE80] =	vst v0  }
0x5b: {  	v0 =	vld [tilespmem:$0x10];
	_ =	sdelay $0x4  }
0x5c: {  	v8 =	vshll.u32 v0, $0x3  }
0x5d: {  	v0 =	vand.u32 $0x7F, v0;
	v1 =	vand.u32 $0xFFFFFC00, v8  }
0x5e: {  	v0 =	vor.u32 v1, v0  }
0x5f: {  	v0 =	vor.u32 $0x100, v0;
	_ =	sdelay $0x4  }
0x60: {  	v0 =	vld.idx.msk [tilespmem:v0+s10+$0x0], $0xffff;
	_ =	sdelay $0x4  }
0x61: {  	[tilespmem:s17+$0xFFFFFE90] =	vst v0  }
0x62: {  	v0 =	vld [tilespmem:$0x20];
	_ =	sdelay $0x4  }
0x63: {  	v9 =	vshll.u32 v0, $0x3  }
0x64: {  	v0 =	vand.u32 $0x7F, v0;
	v1 =	vand.u32 $0xFFFFFC00, v9  }
0x65: {  	v0 =	vor.u32 v1, v0  }
0x66: {  	v0 =	vor.u32 $0x100, v0;
	_ =	sdelay $0x4  }
0x67: {  	v0 =	vld.idx.msk [tilespmem:v0+s10+$0x0], $0xffff;
	_ =	sdelay $0x4  }
0x68: {  	[tilespmem:s17+$0xFFFFFEA0] =	vst v0  }
0x69: {  	v0 =	vld [tilespmem:$0x30];
	_ =	sdelay $0x4  }
0x6a: {  	v10 =	vshll.u32 v0, $0x3  }
0x6b: {  	v0 =	vand.u32 $0x7F, v0;
	v1 =	vand.u32 $0xFFFFFC00, v10  }
0x6c: {  	v0 =	vor.u32 v1, v0  }
0x6d: {  	v0 =	vor.u32 $0x100, v0;
	_ =	sdelay $0x4  }
0x6e: {  	v0 =	vld.idx.msk [tilespmem:v0+s10+$0x0], $0xffff;
	_ =	sdelay $0x4  }
0x6f: {  	[tilespmem:s17+$0xFFFFFEB0] =	vst v0  }
0x70: {  	v0 =	vld [tilespmem:$0x0];
	_ =	sdelay $0x4  }
0x71: {  	v11 =	vshll.u32 v0, $0x3  }
0x72: {  	v0 =	vand.u32 $0x7F, v0;
	v1 =	vand.u32 $0xFFFFFC00, v11  }
0x73: {  	v0 =	vor.u32 v1, v0  }
0x74: {  	v0 =	vor.u32 $0x180, v0;
	_ =	sdelay $0x4  }
0x75: {  	v0 =	vld.idx.msk [tilespmem:v0+s10+$0x0], $0xffff;
	_ =	sdelay $0x4  }
0x76: {  	[tilespmem:s17+$0xFFFFFEC0] =	vst v0  }
0x77: {  	v0 =	vld [tilespmem:$0x10];
	_ =	sdelay $0x4  }
0x78: {  	v12 =	vshll.u32 v0, $0x3  }
0x79: {  	v0 =	vand.u32 $0x7F, v0;
	v1 =	vand.u32 $0xFFFFFC00, v12  }
0x7a: {  	v0 =	vor.u32 v1, v0  }
0x7b: {  	v0 =	vor.u32 $0x180, v0;
	_ =	sdelay $0x4  }
0x7c: {  	v0 =	vld.idx.msk [tilespmem:v0+s10+$0x0], $0xffff;
	_ =	sdelay $0x4  }
0x7d: {  	[tilespmem:s17+$0xFFFFFED0] =	vst v0  }
0x7e: {  	v0 =	vld [tilespmem:$0x20];
	_ =	sdelay $0x4  }
0x7f: {  	v13 =	vshll.u32 v0, $0x3  }
0x80: {  	v0 =	vand.u32 $0x7F, v0;
	v1 =	vand.u32 $0xFFFFFC00, v13  }
0x81: {  	v0 =	vor.u32 v1, v0  }
0x82: {  	v0 =	vor.u32 $0x180, v0;
	_ =	sdelay $0x4  }
0x83: {  	v0 =	vld.idx.msk [tilespmem:v0+s10+$0x0], $0xffff;
	_ =	sdelay $0x4  }
0x84: {  	[tilespmem:s17+$0xFFFFFEE0] =	vst v0  }
0x85: {  	v0 =	vld [tilespmem:$0x30];
	_ =	sdelay $0x4  }
0x86: {  	v14 =	vshll.u32 v0, $0x3  }
0x87: {  	v0 =	vand.u32 $0x7F, v0;
	v1 =	vand.u32 $0xFFFFFC00, v14  }
0x88: {  	v0 =	vor.u32 v1, v0  }
0x89: {  	v0 =	vor.u32 $0x180, v0;
	_ =	sdelay $0x4  }
0x8a: {  	v0 =	vld.idx.msk [tilespmem:v0+s10+$0x0], $0xffff;
	_ =	sdelay $0x4  }
0x8b: {  	[tilespmem:s17+$0xFFFFFEF0] =	vst v0  }
0x8c: {  	v0 =	vld [tilespmem:$0x0];
	_ =	sdelay $0x4  }
0x8d: {  	v15 =	vshll.u32 v0, $0x3  }
0x8e: {  	v0 =	vand.u32 $0x7F, v0;
	v1 =	vand.u32 $0xFFFFFC00, v15  }
0x8f: {  	v0 =	vor.u32 v1, v0  }
0x90: {  	v0 =	vor.u32 $0x200, v0;
	_ =	sdelay $0x4  }
0x91: {  	v0 =	vld.idx.msk [tilespmem:v0+s10+$0x0], $0xffff;
	_ =	sdelay $0x4  }
0x92: {  	[tilespmem:s17+$0xFFFFFF00] =	vst v0  }
0x93: {  	v0 =	vld [tilespmem:$0x10];
	_ =	sdelay $0x4  }
0x94: {  	v16 =	vshll.u32 v0, $0x3  }
0x95: {  	v0 =	vand.u32 $0x7F, v0;
	v1 =	vand.u32 $0xFFFFFC00, v16  }
0x96: {  	v0 =	vor.u32 v1, v0  }
0x97: {  	v0 =	vor.u32 $0x200, v0;
	_ =	sdelay $0x4  }
0x98: {  	v0 =	vld.idx.msk [tilespmem:v0+s10+$0x0], $0xffff;
	_ =	sdelay $0x4  }
0x99: {  	[tilespmem:s17+$0xFFFFFF10] =	vst v0  }
0x9a: {  	v0 =	vld [tilespmem:$0x20];
	_ =	sdelay $0x4  }
0x9b: {  	v17 =	vshll.u32 v0, $0x3  }
0x9c: {  	v0 =	vand.u32 $0x7F, v0;
	v1 =	vand.u32 $0xFFFFFC00, v17  }
0x9d: {  	v0 =	vor.u32 v1, v0  }
0x9e: {  	v0 =	vor.u32 $0x200, v0;
	_ =	sdelay $0x4  }
0x9f: {  	v0 =	vld.idx.msk [tilespmem:v0+s10+$0x0], $0xffff;
	_ =	sdelay $0x4  }
0xa0: {  	[tilespmem:s17+$0xFFFFFF20] =	vst v0  }
0xa1: {  	v0 =	vld [tilespmem:$0x30];
	_ =	sdelay $0x4  }
0xa2: {  	v18 =	vshll.u32 v0, $0x3  }
0xa3: {  	v0 =	vand.u32 $0x7F, v0;
	v1 =	vand.u32 $0xFFFFFC00, v18  }
0xa4: {  	v0 =	vor.u32 v1, v0  }
0xa5: {  	v0 =	vor.u32 $0x200, v0;
	_ =	sdelay $0x4  }
0xa6: {  	v0 =	vld.idx.msk [tilespmem:v0+s10+$0x0], $0xffff;
	_ =	sdelay $0x4  }
0xa7: {  	[tilespmem:s17+$0xFFFFFF30] =	vst v0  }
0xa8: {  	v0 =	vld [tilespmem:$0x0];
	_ =	sdelay $0x4  }
0xa9: {  	v19 =	vshll.u32 v0, $0x3  }
0xaa: {  	v0 =	vand.u32 $0x7F, v0;
	v1 =	vand.u32 $0xFFFFFC00, v19  }
0xab: {  	v0 =	vor.u32 v1, v0  }
0xac: {  	v0 =	vor.u32 $0x280, v0;
	_ =	sdelay $0x4  }
0xad: {  	v0 =	vld.idx.msk [tilespmem:v0+s10+$0x0], $0xffff;
	_ =	sdelay $0x4  }
0xae: {  	[tilespmem:s17+$0xFFFFFF40] =	vst v0  }
0xaf: {  	v0 =	vld [tilespmem:$0x10];
	_ =	sdelay $0x4  }
0xb0: {  	v20 =	vshll.u32 v0, $0x3  }
0xb1: {  	v0 =	vand.u32 $0x7F, v0;
	v1 =	vand.u32 $0xFFFFFC00, v20  }
0xb2: {  	v0 =	vor.u32 v1, v0  }
0xb3: {  	v0 =	vor.u32 $0x280, v0;
	_ =	sdelay $0x4  }
0xb4: {  	v0 =	vld.idx.msk [tilespmem:v0+s10+$0x0], $0xffff;
	_ =	sdelay $0x4  }
0xb5: {  	[tilespmem:s17+$0xFFFFFF50] =	vst v0  }
0xb6: {  	v0 =	vld [tilespmem:$0x20];
	_ =	sdelay $0x4  }
0xb7: {  	v21 =	vshll.u32 v0, $0x3  }
0xb8: {  	v0 =	vand.u32 $0x7F, v0;
	v1 =	vand.u32 $0xFFFFFC00, v21  }
0xb9: {  	v0 =	vor.u32 v1, v0  }
0xba: {  	v0 =	vor.u32 $0x280, v0;
	_ =	sdelay $0x4  }
0xbb: {  	v0 =	vld.idx.msk [tilespmem:v0+s10+$0x0], $0xffff;
	_ =	sdelay $0x4  }
0xbc: {  	[tilespmem:s17+$0xFFFFFF60] =	vst v0  }
0xbd: {  	v0 =	vld [tilespmem:$0x30];
	_ =	sdelay $0x4  }
0xbe: {  	v22 =	vshll.u32 v0, $0x3  }
0xbf: {  	v0 =	vand.u32 $0x7F, v0;
	v1 =	vand.u32 $0xFFFFFC00, v22  }
0xc0: {  	v0 =	vor.u32 v1, v0  }
0xc1: {  	v0 =	vor.u32 $0x280, v0;
	_ =	sdelay $0x4  }
0xc2: {  	v0 =	vld.idx.msk [tilespmem:v0+s10+$0x0], $0xffff;
	_ =	sdelay $0x4  }
0xc3: {  	[tilespmem:s17+$0xFFFFFF70] =	vst v0  }
0xc4: {  	v0 =	vld [tilespmem:$0x0];
	_ =	sdelay $0x4  }
0xc5: {  	v23 =	vshll.u32 v0, $0x3  }
0xc6: {  	v0 =	vand.u32 $0x7F, v0;
	v1 =	vand.u32 $0xFFFFFC00, v23  }
0xc7: {  	v0 =	vor.u32 v1, v0  }
0xc8: {  	v0 =	vor.u32 $0x300, v0;
	_ =	sdelay $0x4  }
0xc9: {  	v0 =	vld.idx.msk [tilespmem:v0+s10+$0x0], $0xffff;
	_ =	sdelay $0x4  }
0xca: {  	[tilespmem:s17+$0xFFFFFF80] =	vst v0  }
0xcb: {  	v0 =	vld [tilespmem:$0x10];
	_ =	sdelay $0x4  }
0xcc: {  	v24 =	vshll.u32 v0, $0x3  }
0xcd: {  	v0 =	vand.u32 $0x7F, v0;
	v1 =	vand.u32 $0xFFFFFC00, v24  }
0xce: {  	v0 =	vor.u32 v1, v0  }
0xcf: {  	v0 =	vor.u32 $0x300, v0;
	_ =	sdelay $0x4  }
0xd0: {  	v0 =	vld.idx.msk [tilespmem:v0+s10+$0x0], $0xffff;
	_ =	sdelay $0x4  }
0xd1: {  	[tilespmem:s17+$0xFFFFFF90] =	vst v0  }
0xd2: {  	v0 =	vld [tilespmem:$0x20];
	_ =	sdelay $0x4  }
0xd3: {  	v25 =	vshll.u32 v0, $0x3  }
0xd4: {  	v0 =	vand.u32 $0x7F, v0;
	v1 =	vand.u32 $0xFFFFFC00, v25  }
0xd5: {  	v0 =	vor.u32 v1, v0  }
0xd6: {  	v0 =	vor.u32 $0x300, v0;
	_ =	sdelay $0x4  }
0xd7: {  	v0 =	vld.idx.msk [tilespmem:v0+s10+$0x0], $0xffff;
	_ =	sdelay $0x4  }
0xd8: {  	[tilespmem:s17+$0xFFFFFFA0] =	vst v0  }
0xd9: {  	v0 =	vld [tilespmem:$0x30];
	_ =	sdelay $0x4  }
0xda: {  	v26 =	vshll.u32 v0, $0x3  }
0xdb: {  	v0 =	vand.u32 $0x7F, v0;
	v1 =	vand.u32 $0xFFFFFC00, v26  }
0xdc: {  	v0 =	vor.u32 v1, v0  }
0xdd: {  	v0 =	vor.u32 $0x300, v0;
	_ =	sdelay $0x4  }
0xde: {  	v0 =	vld.idx.msk [tilespmem:v0+s10+$0x0], $0xffff;
	_ =	sdelay $0x4  }
0xdf: {  	[tilespmem:s17+$0xFFFFFFB0] =	vst v0  }
0xe0: {  	v0 =	vld [tilespmem:$0x0];
	_ =	sdelay $0x4  }
0xe1: {  	v27 =	vshll.u32 v0, $0x3  }
0xe2: {  	v0 =	vand.u32 $0x7F, v0;
	v1 =	vand.u32 $0xFFFFFC00, v27  }
0xe3: {  	v0 =	vor.u32 v1, v0  }
0xe4: {  	v0 =	vor.u32 $0x380, v0;
	_ =	sdelay $0x4  }
0xe5: {  	v0 =	vld.idx.msk [tilespmem:v0+s10+$0x0], $0xffff;
	_ =	sdelay $0x4  }
0xe6: {  	[tilespmem:s17+$0xFFFFFFC0] =	vst v0  }
0xe7: {  	v0 =	vld [tilespmem:$0x10];
	_ =	sdelay $0x4  }
0xe8: {  	v28 =	vshll.u32 v0, $0x3  }
0xe9: {  	v0 =	vand.u32 $0x7F, v0;
	v1 =	vand.u32 $0xFFFFFC00, v28  }
0xea: {  	v0 =	vor.u32 v1, v0  }
0xeb: {  	v0 =	vor.u32 $0x380, v0;
	_ =	sdelay $0x4  }
0xec: {  	v0 =	vld.idx.msk [tilespmem:v0+s10+$0x0], $0xffff;
	_ =	sdelay $0x4  }
0xed: {  	[tilespmem:s17+$0xFFFFFFD0] =	vst v0  }
0xee: {  	v0 =	vld [tilespmem:$0x20];
	_ =	sdelay $0x4  }
0xef: {  	v29 =	vshll.u32 v0, $0x3  }
0xf0: {  	v0 =	vand.u32 $0x7F, v0;
	v1 =	vand.u32 $0xFFFFFC00, v29  }
0xf1: {  	v0 =	vor.u32 v1, v0  }
0xf2: {  	v0 =	vor.u32 $0x380, v0;
	_ =	sdelay $0x4  }
0xf3: {  	v0 =	vld.idx.msk [tilespmem:v0+s10+$0x0], $0xffff;
	_ =	sdelay $0x4  }
0xf4: {  	[tilespmem:s17+$0xFFFFFFE0] =	vst v0  }
0xf5: {  	v0 =	vld [tilespmem:$0x30];
	_ =	sdelay $0x4  }
0xf6: {  	v30 =	vshll.u32 v0, $0x3  }
0xf7: {  	v0 =	vand.u32 $0x7F, v0;
	v1 =	vand.u32 $0xFFFFFC00, v30  }
0xf8: {  	v0 =	vor.u32 v1, v0  }
0xf9: {  	v0 =	vor.u32 $0x380, v0;
	_ =	sdelay $0x4  }
0xfa: {  	v0 =	vld.idx.msk [tilespmem:v0+s10+$0x0], $0xffff;
	_ =	sdelay $0x2  }
0xfb: {  	p0 =	seq.s32 s16, $0x0  }
0xfc: {  	s18 =	sadd.s32 @!p0 s16, s8  }
0xfd: {  	s19 =	simm.s32 @!p0 $0x0;
	s20 =	simm.s32 @!p0 $0x80;
	s18 =	sadd.s32 @!p0 $0x4DA000, s18;
	[tilespmem:s17+$0xFFFFFFF0] =	vst v0  }
0xfe: {  	[tilespmem:s20], [sflag:$0x1] =	stream.linear.gather @!p0 [hbm4b:s18+s19], $0x8000, $0x38;
	[tilespmem:$0x13480] =	vst v63  }
0xff: {  	_ =	swait.ge [sflag:s13], $0x8000  }
0x100: {  	[sflag:s13] =	ssyncset.done $0x0  }
0x101: {  	[sflag:s13] =	ssyncadd.s32 $0xFFFF8000  }
0x102: {  	v31 =	vld [tilespmem:$0x0];
	_ =	sdelay $0x4  }
0x103: {  	v32 =	vshll.u32 v31, $0x3  }
0x104: {  	v0 =	vand.u32 $0x7F, v31;
	v1 =	vand.u32 $0xFFFFFC00, v32  }
0x105: {  	v0 =	vor.u32 v0, v1;
	_ =	sdelay $0x4  }
0x106: {  	v0 =	vld.idx.msk [tilespmem:v0+s11+$0x0], $0xffff;
	_ =	sdelay $0x4  }
0x107: {  	[tilespmem:s17+$0x0] =	vst v0  }
0x108: {  	v0 =	vld [tilespmem:$0x10];
	_ =	sdelay $0x4  }
0x109: {  	v33 =	vshll.u32 v0, $0x3  }
0x10a: {  	v0 =	vand.u32 $0x7F, v0;
	v1 =	vand.u32 $0xFFFFFC00, v33  }
0x10b: {  	v0 =	vor.u32 v0, v1;
	_ =	sdelay $0x4  }
0x10c: {  	v0 =	vld.idx.msk [tilespmem:v0+s11+$0x0], $0xffff;
	_ =	sdelay $0x4  }
0x10d: {  	[tilespmem:s17+$0x10] =	vst v0  }
0x10e: {  	v0 =	vld [tilespmem:$0x20];
	_ =	sdelay $0x4  }
0x10f: {  	v34 =	vshll.u32 v0, $0x3  }
0x110: {  	v0 =	vand.u32 $0x7F, v0;
	v1 =	vand.u32 $0xFFFFFC00, v34  }
0x111: {  	v0 =	vor.u32 v0, v1;
	_ =	sdelay $0x4  }
0x112: {  	v0 =	vld.idx.msk [tilespmem:v0+s11+$0x0], $0xffff;
	_ =	sdelay $0x4  }
0x113: {  	[tilespmem:s17+$0x20] =	vst v0  }
0x114: {  	v0 =	vld [tilespmem:$0x30];
	_ =	sdelay $0x4  }
0x115: {  	v35 =	vshll.u32 v0, $0x3  }
0x116: {  	v0 =	vand.u32 $0x7F, v0;
	v1 =	vand.u32 $0xFFFFFC00, v35  }
0x117: {  	v0 =	vor.u32 v0, v1;
	_ =	sdelay $0x4  }
0x118: {  	v0 =	vld.idx.msk [tilespmem:v0+s11+$0x0], $0xffff;
	_ =	sdelay $0x4  }
0x119: {  	[tilespmem:s17+$0x30] =	vst v0  }
0x11a: {  	v0 =	vld [tilespmem:$0x0];
	_ =	sdelay $0x4  }
0x11b: {  	v36 =	vshll.u32 v0, $0x3  }
0x11c: {  	v0 =	vand.u32 $0x7F, v0;
	v1 =	vand.u32 $0xFFFFFC00, v36  }
0x11d: {  	v0 =	vor.u32 v1, v0  }
0x11e: {  	v0 =	vor.u32 $0x80, v0;
	_ =	sdelay $0x4  }
0x11f: {  	v0 =	vld.idx.msk [tilespmem:v0+s11+$0x0], $0xffff;
	_ =	sdelay $0x4  }
0x120: {  	[tilespmem:s17+$0x40] =	vst v0  }
0x121: {  	v0 =	vld [tilespmem:$0x10];
	_ =	sdelay $0x4  }
0x122: {  	v37 =	vshll.u32 v0, $0x3  }
0x123: {  	v0 =	vand.u32 $0x7F, v0;
	v1 =	vand.u32 $0xFFFFFC00, v37  }
0x124: {  	v0 =	vor.u32 v1, v0  }
0x125: {  	v0 =	vor.u32 $0x80, v0;
	_ =	sdelay $0x4  }
0x126: {  	v0 =	vld.idx.msk [tilespmem:v0+s11+$0x0], $0xffff;
	_ =	sdelay $0x4  }
0x127: {  	[tilespmem:s17+$0x50] =	vst v0  }
0x128: {  	v0 =	vld [tilespmem:$0x20];
	_ =	sdelay $0x4  }
0x129: {  	v38 =	vshll.u32 v0, $0x3  }
0x12a: {  	v0 =	vand.u32 $0x7F, v0;
	v1 =	vand.u32 $0xFFFFFC00, v38  }
0x12b: {  	v0 =	vor.u32 v1, v0  }
0x12c: {  	v0 =	vor.u32 $0x80, v0;
	_ =	sdelay $0x4  }
0x12d: {  	v0 =	vld.idx.msk [tilespmem:v0+s11+$0x0], $0xffff;
	_ =	sdelay $0x4  }
0x12e: {  	[tilespmem:s17+$0x60] =	vst v0  }
0x12f: {  	v0 =	vld [tilespmem:$0x30];
	_ =	sdelay $0x4  }
0x130: {  	v39 =	vshll.u32 v0, $0x3  }
0x131: {  	v0 =	vand.u32 $0x7F, v0;
	v1 =	vand.u32 $0xFFFFFC00, v39  }
0x132: {  	v0 =	vor.u32 v1, v0  }
0x133: {  	v0 =	vor.u32 $0x80, v0;
	_ =	sdelay $0x4  }
0x134: {  	v0 =	vld.idx.msk [tilespmem:v0+s11+$0x0], $0xffff;
	_ =	sdelay $0x4  }
0x135: {  	[tilespmem:s17+$0x70] =	vst v0  }
0x136: {  	v0 =	vld [tilespmem:$0x0];
	_ =	sdelay $0x4  }
0x137: {  	v40 =	vshll.u32 v0, $0x3  }
0x138: {  	v0 =	vand.u32 $0x7F, v0;
	v1 =	vand.u32 $0xFFFFFC00, v40  }
0x139: {  	v0 =	vor.u32 v1, v0  }
0x13a: {  	v0 =	vor.u32 $0x100, v0;
	_ =	sdelay $0x4  }
0x13b: {  	v0 =	vld.idx.msk [tilespmem:v0+s11+$0x0], $0xffff;
	_ =	sdelay $0x4  }
0x13c: {  	[tilespmem:s17+$0x80] =	vst v0  }
0x13d: {  	v0 =	vld [tilespmem:$0x10];
	_ =	sdelay $0x4  }
0x13e: {  	v41 =	vshll.u32 v0, $0x3  }
0x13f: {  	v0 =	vand.u32 $0x7F, v0;
	v1 =	vand.u32 $0xFFFFFC00, v41  }
0x140: {  	v0 =	vor.u32 v1, v0  }
0x141: {  	v0 =	vor.u32 $0x100, v0;
	_ =	sdelay $0x4  }
0x142: {  	v0 =	vld.idx.msk [tilespmem:v0+s11+$0x0], $0xffff;
	_ =	sdelay $0x4  }
0x143: {  	[tilespmem:s17+$0x90] =	vst v0  }
0x144: {  	v0 =	vld [tilespmem:$0x20];
	_ =	sdelay $0x4  }
0x145: {  	v42 =	vshll.u32 v0, $0x3  }
0x146: {  	v0 =	vand.u32 $0x7F, v0;
	v1 =	vand.u32 $0xFFFFFC00, v42  }
0x147: {  	v0 =	vor.u32 v1, v0  }
0x148: {  	v0 =	vor.u32 $0x100, v0;
	_ =	sdelay $0x4  }
0x149: {  	v0 =	vld.idx.msk [tilespmem:v0+s11+$0x0], $0xffff;
	_ =	sdelay $0x4  }
0x14a: {  	[tilespmem:s17+$0xA0] =	vst v0  }
0x14b: {  	v0 =	vld [tilespmem:$0x30];
	_ =	sdelay $0x4  }
0x14c: {  	v43 =	vshll.u32 v0, $0x3  }
0x14d: {  	v0 =	vand.u32 $0x7F, v0;
	v1 =	vand.u32 $0xFFFFFC00, v43  }
0x14e: {  	v0 =	vor.u32 v1, v0  }
0x14f: {  	v0 =	vor.u32 $0x100, v0;
	_ =	sdelay $0x4  }
0x150: {  	v0 =	vld.idx.msk [tilespmem:v0+s11+$0x0], $0xffff;
	_ =	sdelay $0x4  }
0x151: {  	[tilespmem:s17+$0xB0] =	vst v0  }
0x152: {  	v0 =	vld [tilespmem:$0x0];
	_ =	sdelay $0x4  }
0x153: {  	v44 =	vshll.u32 v0, $0x3  }
0x154: {  	v0 =	vand.u32 $0x7F, v0;
	v1 =	vand.u32 $0xFFFFFC00, v44  }
0x155: {  	v0 =	vor.u32 v1, v0  }
0x156: {  	v0 =	vor.u32 $0x180, v0;
	_ =	sdelay $0x4  }
0x157: {  	v0 =	vld.idx.msk [tilespmem:v0+s11+$0x0], $0xffff;
	_ =	sdelay $0x4  }
0x158: {  	[tilespmem:s17+$0xC0] =	vst v0  }
0x159: {  	v0 =	vld [tilespmem:$0x10];
	_ =	sdelay $0x4  }
0x15a: {  	v45 =	vshll.u32 v0, $0x3  }
0x15b: {  	v0 =	vand.u32 $0x7F, v0;
	v1 =	vand.u32 $0xFFFFFC00, v45  }
0x15c: {  	v0 =	vor.u32 v1, v0  }
0x15d: {  	v0 =	vor.u32 $0x180, v0;
	_ =	sdelay $0x4  }
0x15e: {  	v0 =	vld.idx.msk [tilespmem:v0+s11+$0x0], $0xffff;
	_ =	sdelay $0x4  }
0x15f: {  	[tilespmem:s17+$0xD0] =	vst v0  }
0x160: {  	v0 =	vld [tilespmem:$0x20];
	_ =	sdelay $0x4  }
0x161: {  	v46 =	vshll.u32 v0, $0x3  }
0x162: {  	v0 =	vand.u32 $0x7F, v0;
	v1 =	vand.u32 $0xFFFFFC00, v46  }
0x163: {  	v0 =	vor.u32 v1, v0  }
0x164: {  	v0 =	vor.u32 $0x180, v0;
	_ =	sdelay $0x4  }
0x165: {  	v0 =	vld.idx.msk [tilespmem:v0+s11+$0x0], $0xffff;
	_ =	sdelay $0x4  }
0x166: {  	[tilespmem:s17+$0xE0] =	vst v0  }
0x167: {  	v0 =	vld [tilespmem:$0x30];
	_ =	sdelay $0x4  }
0x168: {  	v47 =	vshll.u32 v0, $0x3  }
0x169: {  	v0 =	vand.u32 $0x7F, v0;
	v1 =	vand.u32 $0xFFFFFC00, v47  }
0x16a: {  	v0 =	vor.u32 v1, v0  }
0x16b: {  	v0 =	vor.u32 $0x180, v0;
	_ =	sdelay $0x4  }
0x16c: {  	v0 =	vld.idx.msk [tilespmem:v0+s11+$0x0], $0xffff;
	_ =	sdelay $0x4  }
0x16d: {  	[tilespmem:s17+$0xF0] =	vst v0  }
0x16e: {  	v0 =	vld [tilespmem:$0x0];
	_ =	sdelay $0x4  }
0x16f: {  	v48 =	vshll.u32 v0, $0x3  }
0x170: {  	v0 =	vand.u32 $0x7F, v0;
	v1 =	vand.u32 $0xFFFFFC00, v48  }
0x171: {  	v0 =	vor.u32 v1, v0  }
0x172: {  	v0 =	vor.u32 $0x200, v0;
	_ =	sdelay $0x4  }
0x173: {  	v0 =	vld.idx.msk [tilespmem:v0+s11+$0x0], $0xffff;
	_ =	sdelay $0x4  }
0x174: {  	[tilespmem:s17+$0x100] =	vst v0  }
0x175: {  	v0 =	vld [tilespmem:$0x10];
	_ =	sdelay $0x4  }
0x176: {  	v49 =	vshll.u32 v0, $0x3  }
0x177: {  	v0 =	vand.u32 $0x7F, v0;
	v1 =	vand.u32 $0xFFFFFC00, v49  }
0x178: {  	v0 =	vor.u32 v1, v0  }
0x179: {  	v0 =	vor.u32 $0x200, v0;
	_ =	sdelay $0x4  }
0x17a: {  	v0 =	vld.idx.msk [tilespmem:v0+s11+$0x0], $0xffff;
	_ =	sdelay $0x4  }
0x17b: {  	[tilespmem:s17+$0x110] =	vst v0  }
0x17c: {  	v0 =	vld [tilespmem:$0x20];
	_ =	sdelay $0x4  }
0x17d: {  	v50 =	vshll.u32 v0, $0x3  }
0x17e: {  	v0 =	vand.u32 $0x7F, v0;
	v1 =	vand.u32 $0xFFFFFC00, v50  }
0x17f: {  	v0 =	vor.u32 v1, v0  }
0x180: {  	v0 =	vor.u32 $0x200, v0;
	_ =	sdelay $0x4  }
0x181: {  	v0 =	vld.idx.msk [tilespmem:v0+s11+$0x0], $0xffff;
	_ =	sdelay $0x4  }
0x182: {  	[tilespmem:s17+$0x120] =	vst v0  }
0x183: {  	v0 =	vld [tilespmem:$0x30];
	_ =	sdelay $0x4  }
0x184: {  	v51 =	vshll.u32 v0, $0x3  }
0x185: {  	v0 =	vand.u32 $0x7F, v0;
	v1 =	vand.u32 $0xFFFFFC00, v51  }
0x186: {  	v0 =	vor.u32 v1, v0  }
0x187: {  	v0 =	vor.u32 $0x200, v0;
	_ =	sdelay $0x4  }
0x188: {  	v0 =	vld.idx.msk [tilespmem:v0+s11+$0x0], $0xffff;
	_ =	sdelay $0x4  }
0x189: {  	[tilespmem:s17+$0x130] =	vst v0  }
0x18a: {  	v0 =	vld [tilespmem:$0x0];
	_ =	sdelay $0x4  }
0x18b: {  	v52 =	vshll.u32 v0, $0x3  }
0x18c: {  	v0 =	vand.u32 $0x7F, v0;
	v1 =	vand.u32 $0xFFFFFC00, v52  }
0x18d: {  	v0 =	vor.u32 v1, v0  }
0x18e: {  	v0 =	vor.u32 $0x280, v0;
	_ =	sdelay $0x4  }
0x18f: {  	v0 =	vld.idx.msk [tilespmem:v0+s11+$0x0], $0xffff;
	_ =	sdelay $0x4  }
0x190: {  	[tilespmem:s17+$0x140] =	vst v0  }
0x191: {  	v0 =	vld [tilespmem:$0x10];
	_ =	sdelay $0x4  }
0x192: {  	v53 =	vshll.u32 v0, $0x3  }
0x193: {  	v0 =	vand.u32 $0x7F, v0;
	v1 =	vand.u32 $0xFFFFFC00, v53  }
0x194: {  	v0 =	vor.u32 v1, v0  }
0x195: {  	v0 =	vor.u32 $0x280, v0;
	_ =	sdelay $0x4  }
0x196: {  	v0 =	vld.idx.msk [tilespmem:v0+s11+$0x0], $0xffff;
	_ =	sdelay $0x4  }
0x197: {  	[tilespmem:s17+$0x150] =	vst v0  }
0x198: {  	v0 =	vld [tilespmem:$0x20];
	_ =	sdelay $0x4  }
0x199: {  	v54 =	vshll.u32 v0, $0x3  }
0x19a: {  	v0 =	vand.u32 $0x7F, v0;
	v1 =	vand.u32 $0xFFFFFC00, v54  }
0x19b: {  	v0 =	vor.u32 v1, v0  }
0x19c: {  	v0 =	vor.u32 $0x280, v0;
	_ =	sdelay $0x4  }
0x19d: {  	v0 =	vld.idx.msk [tilespmem:v0+s11+$0x0], $0xffff;
	_ =	sdelay $0x4  }
0x19e: {  	[tilespmem:s17+$0x160] =	vst v0  }
0x19f: {  	v0 =	vld [tilespmem:$0x30];
	_ =	sdelay $0x4  }
0x1a0: {  	v55 =	vshll.u32 v0, $0x3  }
0x1a1: {  	v0 =	vand.u32 $0x7F, v0;
	v1 =	vand.u32 $0xFFFFFC00, v55  }
0x1a2: {  	v0 =	vor.u32 v1, v0  }
0x1a3: {  	v0 =	vor.u32 $0x280, v0;
	_ =	sdelay $0x4  }
0x1a4: {  	v0 =	vld.idx.msk [tilespmem:v0+s11+$0x0], $0xffff;
	_ =	sdelay $0x4  }
0x1a5: {  	[tilespmem:s17+$0x170] =	vst v0  }
0x1a6: {  	v0 =	vld [tilespmem:$0x0];
	_ =	sdelay $0x4  }
0x1a7: {  	v56 =	vshll.u32 v0, $0x3  }
0x1a8: {  	v0 =	vand.u32 $0x7F, v0;
	v1 =	vand.u32 $0xFFFFFC00, v56  }
0x1a9: {  	v0 =	vor.u32 v1, v0  }
0x1aa: {  	v0 =	vor.u32 $0x300, v0;
	_ =	sdelay $0x4  }
0x1ab: {  	v0 =	vld.idx.msk [tilespmem:v0+s11+$0x0], $0xffff;
	_ =	sdelay $0x4  }
0x1ac: {  	[tilespmem:s17+$0x180] =	vst v0  }
0x1ad: {  	v0 =	vld [tilespmem:$0x10];
	_ =	sdelay $0x4  }
0x1ae: {  	v57 =	vshll.u32 v0, $0x3  }
0x1af: {  	v0 =	vand.u32 $0x7F, v0;
	v1 =	vand.u32 $0xFFFFFC00, v57  }
0x1b0: {  	v0 =	vor.u32 v1, v0  }
0x1b1: {  	v0 =	vor.u32 $0x300, v0;
	_ =	sdelay $0x4  }
0x1b2: {  	v0 =	vld.idx.msk [tilespmem:v0+s11+$0x0], $0xffff;
	_ =	sdelay $0x4  }
0x1b3: {  	[tilespmem:s17+$0x190] =	vst v0  }
0x1b4: {  	v0 =	vld [tilespmem:$0x20];
	_ =	sdelay $0x4  }
0x1b5: {  	v58 =	vshll.u32 v0, $0x3  }
0x1b6: {  	v0 =	vand.u32 $0x7F, v0;
	v1 =	vand.u32 $0xFFFFFC00, v58  }
0x1b7: {  	v0 =	vor.u32 v1, v0  }
0x1b8: {  	v0 =	vor.u32 $0x300, v0;
	_ =	sdelay $0x4  }
0x1b9: {  	v0 =	vld.idx.msk [tilespmem:v0+s11+$0x0], $0xffff;
	_ =	sdelay $0x4  }
0x1ba: {  	[tilespmem:s17+$0x1A0] =	vst v0  }
0x1bb: {  	v0 =	vld [tilespmem:$0x30];
	_ =	sdelay $0x4  }
0x1bc: {  	v59 =	vshll.u32 v0, $0x3  }
0x1bd: {  	v0 =	vand.u32 $0x7F, v0;
	v1 =	vand.u32 $0xFFFFFC00, v59  }
0x1be: {  	v0 =	vor.u32 v1, v0  }
0x1bf: {  	v0 =	vor.u32 $0x300, v0;
	_ =	sdelay $0x4  }
0x1c0: {  	v0 =	vld.idx.msk [tilespmem:v0+s11+$0x0], $0xffff;
	_ =	sdelay $0x4  }
0x1c1: {  	[tilespmem:s17+$0x1B0] =	vst v0  }
0x1c2: {  	v0 =	vld [tilespmem:$0x0];
	_ =	sdelay $0x4  }
0x1c3: {  	v60 =	vshll.u32 v0, $0x3  }
0x1c4: {  	v0 =	vand.u32 $0x7F, v0;
	v1 =	vand.u32 $0xFFFFFC00, v60  }
0x1c5: {  	v0 =	vor.u32 v1, v0  }
0x1c6: {  	v0 =	vor.u32 $0x380, v0;
	_ =	sdelay $0x4  }
0x1c7: {  	v0 =	vld.idx.msk [tilespmem:v0+s11+$0x0], $0xffff;
	_ =	sdelay $0x4  }
0x1c8: {  	[tilespmem:s17+$0x1C0] =	vst v0  }
0x1c9: {  	v0 =	vld [tilespmem:$0x10];
	_ =	sdelay $0x4  }
0x1ca: {  	v61 =	vshll.u32 v0, $0x3  }
0x1cb: {  	v0 =	vand.u32 $0x7F, v0;
	v1 =	vand.u32 $0xFFFFFC00, v61  }
0x1cc: {  	v0 =	vor.u32 v1, v0  }
0x1cd: {  	v0 =	vor.u32 $0x380, v0;
	_ =	sdelay $0x4  }
0x1ce: {  	v0 =	vld.idx.msk [tilespmem:v0+s11+$0x0], $0xffff;
	_ =	sdelay $0x4  }
0x1cf: {  	[tilespmem:s17+$0x1D0] =	vst v0  }
0x1d0: {  	v0 =	vld [tilespmem:$0x20];
	_ =	sdelay $0x4  }
0x1d1: {  	v62 =	vshll.u32 v0, $0x3  }
0x1d2: {  	v0 =	vand.u32 $0x7F, v0;
	v1 =	vand.u32 $0xFFFFFC00, v62  }
0x1d3: {  	v0 =	vor.u32 v1, v0  }
0x1d4: {  	v0 =	vor.u32 $0x380, v0;
	_ =	sdelay $0x4  }
0x1d5: {  	v0 =	vld.idx.msk [tilespmem:v0+s11+$0x0], $0xffff;
	_ =	sdelay $0x4  }
0x1d6: {  	[tilespmem:s17+$0x1E0] =	vst v0  }
0x1d7: {  	v0 =	vld [tilespmem:$0x30];
	_ =	sdelay $0x4  }
0x1d8: {  	v63 =	vshll.u32 v0, $0x3  }
0x1d9: {  	v0 =	vand.u32 $0x7F, v0;
	v1 =	vand.u32 $0xFFFFFC00, v63  }
0x1da: {  	v0 =	vor.u32 v1, v0  }
0x1db: {  	v0 =	vor.u32 $0x380, v0;
	_ =	sdelay $0x4  }
0x1dc: {  	v0 =	vld.idx.msk [tilespmem:v0+s11+$0x0], $0xffff  }
.Ltmp2:
0x1dd: {  	_ = 	snop;
	(pc) =	sbr.rel @p0 .LBB2_4-.Ltmp2, $2  }
0x1de: {  	_ =	sdelay $0x2  }
0x1df: {  	[tilespmem:s17+$0x1F0] =	vst v0  }
.Ltmp3:
0x1e0: {  	(pc) =	sbr.rel .LBB2_2-.Ltmp3, $4  }
0x1e1: {  	_ = 	snop  }
0x1e2: {  	s18 =	sadd.s32 s16, s8  }
0x1e3: {  	s16 =	sadd.s32 $0x2000, s16;
	s17 =	sadd.s32 $0x400, s17;
	s18 =	sadd.s32 $0x4DB000, s18  }
0x1e4: {  	[tilespmem:s11], [sflag:$0x2] =	stream.linear.gather [hbm4b:s18+s3], $0x8000, $0x38;
	[tilespmem:$0x13480] =	vst v63  }
.LBB2_5:
0x1e5: {  	_ =	sfence.sel $0x180000  }
0x1e6: {  	[bflag:$0x0] =	sbarrier.arrive $0xFFFF  }
0x1e7: {  	p0 =	sne.s32 s0, $0x0;
	_ =	strace $0x90000047  }
0x1e8: {  	s0 =	sadd.s32 @!p0 $0x100000, s1;
	[bflag:$0x2] =	sbarrier.arrive $0xFFFF  }
0x1e9: {  	[sflag:s0] =	ssyncadd.tile.s32 @!p0 $0x1;
	_ =	shalt  }
.Lfunc_end2:
_tile_overlayer_lowered:
.L_overlay_start_2:
0x1ea: {  	(tag) =	ssettag $0x2  }
0x1eb: {  	s0 =	rddreg [dreg:$0x0];
	s2 =	stileid.u32  }
0x1ec: {  	s1 =	rddreg [dreg:$0x1];
	p0 =	sne.s32 s2, $0x0  }
0x1ed: {  	s3 =	rddreg [dreg:$0x2];
	[bflag:$0x3] =	sbarrier.arrive $0xFFFF;
	s2 =	simm.s32 @!p0 $0x1C03  }
0x1ee: {  	[timem:s3], [sflag:s2] =	dma.local @!p0 [hbm:s0], s1  }
0x1ef: {  	s0 =	simm.s32 @!p0 $0x3  }
0x1f0: {  	_ =	swait.ge @!p0 [sflag:s0], s1  }
0x1f1: {  	s1 =	ssub.s32 @!p0 $0x0, s1;
	[sflag:s0] =	ssyncset.done @!p0 $0x0  }
0x1f2: {  	[sflag:s0] =	ssyncadd.s32 @!p0 s1  }
0x1f3: {  	[bflag:$0x3] =	sbarrier.arrive $0xFFFF  }
0x1f4: {  	_ =	shalt  }

</sc_bundles>
